<compile_context>
chip_gen: v7x
topology: tpu7x:2x2x1
jax: 0.10.2.dev20260603
libtpu: 0.0.44.dev20260713+nightly
codegen_flags: <defaults>
</compile_context>

<pallas_src>
import functools

import jax
import jax.numpy as jnp
from jax import lax
from jax.experimental import pallas as pl
from jax.experimental.pallas import tpu as pltpu
from jax.experimental.pallas import tpu_sc as plsc

N = 10000
E = 320000
M = 10000
C = 128
DT = 16
NC = 2
NS = 16
NW = NC * NS
EPW = E // NW
K = 125
NCHUNK = EPW // K
RPS = M // NS


def _sc_body(feat_hbm, tail_hbm, eref_hbm, eq_hbm, zf_hbm, zt_hbm,
             outf_hbm, outt_hbm, idx_v, rowsf_v, rowst_v, accf_sh, acct_sh,
             fsem, tsem, isem, ssem):
    c = lax.axis_index("c")
    s = lax.axis_index("s")
    wid = c * NS + s
    pltpu.sync_copy(zf_hbm, accf_sh.at[pl.ds(s * RPS, RPS)])
    pltpu.sync_copy(zt_hbm, acct_sh.at[pl.ds(s * RPS, RPS)])
    plsc.subcore_barrier()

    def fetch_idx(i, slot, do_async):
        if do_async:
            pltpu.async_copy(eref_hbm.at[wid, i], idx_v.at[slot, 0], isem)
            pltpu.async_copy(eq_hbm.at[wid, i], idx_v.at[slot, 1], isem)
        else:
            pltpu.sync_copy(eref_hbm.at[wid, i], idx_v.at[slot, 0])
            pltpu.sync_copy(eq_hbm.at[wid, i], idx_v.at[slot, 1])

    def wait_idx(i, slot):
        pltpu.make_async_copy(eref_hbm.at[wid, i], idx_v.at[slot, 0],
                              isem).wait()
        pltpu.make_async_copy(eq_hbm.at[wid, i], idx_v.at[slot, 1],
                              isem).wait()

    def fire_gathers(slot, buf):
        pltpu.async_copy(feat_hbm.at[idx_v.at[slot, 0]], rowsf_v.at[buf],
                         fsem)
        pltpu.async_copy(tail_hbm.at[idx_v.at[slot, 0]], rowst_v.at[buf],
                         tsem)

    def wait_gathers(slot, buf):
        pltpu.make_async_copy(feat_hbm.at[idx_v.at[slot, 0]],
                              rowsf_v.at[buf], fsem).wait()
        pltpu.make_async_copy(tail_hbm.at[idx_v.at[slot, 0]],
                              rowst_v.at[buf], tsem).wait()

    def fire_scatters(slot, buf):
        pltpu.async_copy(rowsf_v.at[buf], accf_sh.at[idx_v.at[slot, 1]],
                         ssem, add=True)
        pltpu.async_copy(rowst_v.at[buf], acct_sh.at[idx_v.at[slot, 1]],
                         ssem, add=True)

    def wait_scatters(slot, buf):
        pltpu.make_async_copy(rowsf_v.at[buf],
                              accf_sh.at[idx_v.at[slot, 1]], ssem).wait()
        pltpu.make_async_copy(rowst_v.at[buf],
                              acct_sh.at[idx_v.at[slot, 1]], ssem).wait()

    fetch_idx(0, 0, False)
    fetch_idx(1, 1, True)
    fire_gathers(0, 0)

    def chunk(i, carry):
        b3 = lax.rem(i, 3)
        b2 = lax.rem(i, 2)
        n3 = lax.rem(i + 1, 3)

        @pl.when(i + 1 < NCHUNK)
        def _fire_gather():
            wait_idx(i + 1, n3)

            @pl.when(i >= 1)
            def _free_buf():
                wait_scatters(lax.rem(i - 1, 3), 1 - b2)

            fire_gathers(n3, 1 - b2)

        @pl.when(i + 2 < NCHUNK)
        def _fire_idx():
            fetch_idx(i + 2, lax.rem(i + 2, 3), True)

        wait_gathers(b3, b2)
        fire_scatters(b3, b2)
        return carry

    lax.fori_loop(0, NCHUNK, chunk, 0)
    wait_scatters(lax.rem(NCHUNK - 2, 3), lax.rem(NCHUNK - 2, 2))
    wait_scatters(lax.rem(NCHUNK - 1, 3), lax.rem(NCHUNK - 1, 2))
    plsc.subcore_barrier()
    pltpu.sync_copy(accf_sh.at[pl.ds(s * RPS, RPS)],
                    outf_hbm.at[pl.ds(c * M + s * RPS, RPS)])
    pltpu.sync_copy(acct_sh.at[pl.ds(s * RPS, RPS)],
                    outt_hbm.at[pl.ds(c * M + s * RPS, RPS)])


def _sc_scatter(feat, tail, eref_w, eq_w, zf, zt):
    mesh = plsc.VectorSubcoreMesh(
        core_axis_name="c", subcore_axis_name="s", num_cores=NC, num_subcores=NS)
    return pl.kernel(
        _sc_body,
        out_type=(jax.ShapeDtypeStruct((NC * M, C), jnp.float32),
                  jax.ShapeDtypeStruct((NC * M, DT), jnp.float32)),
        mesh=mesh,
        scratch_types=[
            pltpu.VMEM((3, 2, K), jnp.int32),
            pltpu.VMEM((2, K, C), jnp.float32),
            pltpu.VMEM((2, K, DT), jnp.float32),
            pltpu.VMEM_SHARED((M, C), jnp.float32),
            pltpu.VMEM_SHARED((M, DT), jnp.float32),
            pltpu.SemaphoreType.DMA,
            pltpu.SemaphoreType.DMA,
            pltpu.SemaphoreType.DMA,
            pltpu.SemaphoreType.DMA,
        ],
        compiler_params=pltpu.CompilerParams(use_tc_tiling_on_sc=False),
    )(feat, tail, eref_w, eq_w, zf, zt)


def _dense_body(xf, xt, qb, wm, wp, bias, gamma, beta, out):
    f32 = jnp.float32
    dg = functools.partial(lax.dot_general, preferred_element_type=f32)
    contract1 = (((1,), (1,)), ((), ()))
    wt = jnp.concatenate(
        [wp[...], bias[...], jnp.zeros((C, DT - 4), f32)], axis=1)
    col = lax.broadcasted_iota(jnp.int32, (C, DT), 1)
    sel = jnp.where(col == 3, 1.0, 0.0)
    wq = jnp.concatenate([jnp.zeros((C, 1), f32), wp[...]], axis=1)

    accf = xf[0:M, :] + xf[M:2 * M, :]
    acct = xt[0:M, :] + xt[M:2 * M, :]
    counts = dg(acct, sel, contract1)
    numer = (dg(accf, wm[...], contract1) + dg(acct, wt, contract1)
             - counts * dg(qb[...], wq, contract1))
    qf = numer / jnp.maximum(counts, 1.0)
    mean = jnp.mean(qf, axis=0, keepdims=True)
    dev = qf - mean
    var = jnp.mean(dev * dev, axis=0, keepdims=True)
    out[...] = jnp.maximum(
        dev * lax.rsqrt(var + 1e-5) * gamma[...] + beta[...], 0.0)


@jax.jit
def kernel(ref_bxyz, ref_feat, query_bxyz, e_ref, e_query,
           W_pos, b_pos, W_mlp, b_mlp, bn_gamma, bn_beta):
    f32 = jnp.float32
    tail = jnp.concatenate(
        [ref_bxyz[:, 1:4], jnp.ones((N, 1), f32),
         jnp.zeros((N, DT - 4), f32)], axis=1)
    eref_w = e_ref.reshape(NW, NCHUNK, K)
    eq_w = e_query.reshape(NW, NCHUNK, K)
    zf = jnp.zeros((RPS, C), f32)
    zt = jnp.zeros((RPS, DT), f32)

    xf, xt = _sc_scatter(ref_feat, tail, eref_w, eq_w, zf, zt)

    return pl.pallas_call(
        _dense_body,
        out_shape=jax.ShapeDtypeStruct((M, C), f32),
    )(xf, xt, query_bxyz, W_mlp, W_pos, (b_mlp + b_pos).reshape(C, 1),
      bn_gamma.reshape(1, C), bn_beta.reshape(1, C))

# --- scband reference (transcript-rebuilt; emitter-appended) ---
"""Pipeline reference for scband-point-conv-68745246539912 (READ-ONLY COPY).

The authoritative reference and input builder live on the scoring server;
editing this copy changes nothing except your own understanding.
"""

import jax, jax.numpy as jnp
import numpy as np

N = 10000
E = 320000
M = 10000
C_IN = 128
C_OUT = 128


def setup_inputs(seed: int = 0) -> dict:
    key = jax.random.key(seed)
    ks = jax.random.split(key, 8)
    ref_bxyz = jax.random.normal(ks[0], (N, 4), dtype=jnp.float32)
    ref_feat = jax.random.normal(ks[1], (N, C_IN), dtype=jnp.float32)
    query_bxyz = jax.random.normal(ks[2], (M, 4), dtype=jnp.float32)
    e_ref = jax.random.randint(ks[3], (E,), 0, N, dtype=jnp.int32)
    e_query = jax.random.randint(ks[4], (E,), 0, M, dtype=jnp.int32)
    # learned parameters
    W_pos = jax.random.normal(ks[5], (C_OUT, 3), dtype=jnp.float32) * (1.0 / np.sqrt(3.0))
    b_pos = jnp.zeros((C_OUT,), dtype=jnp.float32)
    W_mlp = jax.random.normal(ks[6], (C_OUT, C_IN), dtype=jnp.float32) * (1.0 / np.sqrt(C_IN))
    b_mlp = jnp.zeros((C_OUT,), dtype=jnp.float32)
    bn_gamma = jnp.ones((C_OUT,), dtype=jnp.float32)
    bn_beta = jnp.zeros((C_OUT,), dtype=jnp.float32)
    return {
        "ref_bxyz": ref_bxyz,
        "ref_feat": ref_feat,
        "query_bxyz": query_bxyz,
        "e_ref": e_ref,
        "e_query": e_query,
        "W_pos": W_pos,
        "b_pos": b_pos,
        "W_mlp": W_mlp,
        "b_mlp": b_mlp,
        "bn_gamma": bn_gamma,
        "bn_beta": b_pos * 0.0 + bn_beta,
    }


def reference(ref_bxyz, ref_feat, query_bxyz, e_ref, e_query, W_pos, b_pos, W_mlp, b_mlp, bn_gamma, bn_beta):
    # pos_diff = (ref_bxyz[e_ref] - query_bxyz[e_query])[:, 1:4]
    pos_diff = (jnp.take(ref_bxyz, e_ref, axis=0) - jnp.take(query_bxyz, e_query, axis=0))[:, 1:4]
    num_queries = query_bxyz.shape[0]
    # linear pos encoder
    pos_embedding = pos_diff @ W_pos.T + b_pos
    # mlp on ref features, then gather to edges
    output_feat = jnp.take(ref_feat @ W_mlp.T + b_mlp, e_ref, axis=0)
    # scatter-mean over e_query (torch_scatter 'mean' semantics: zero for empty segments)
    counts = jax.ops.segment_sum(jnp.ones((e_query.shape[0],), dtype=jnp.float32), e_query, num_segments=num_queries)
    counts = jnp.clip(counts, 1.0)[:, None]
    query_feat = jax.ops.segment_sum(pos_embedding, e_query, num_segments=num_queries) / counts
    query_feat = query_feat + jax.ops.segment_sum(output_feat, e_query, num_segments=num_queries) / counts
    # BatchNorm1d (training-mode batch statistics, biased variance, eps=1e-5)
    mean = jnp.mean(query_feat, axis=0)
    var = jnp.var(query_feat, axis=0)
    query_feat = (query_feat - mean) / jnp.sqrt(var + 1e-5) * bn_gamma + bn_beta
    return jax.nn.relu(query_feat)

if __name__ == "__main__":
    import jax
    _d = setup_inputs()
    print(jax.jit(kernel)(*tuple(_d.values())))

</pallas_src>

<mosaic_0001>
#map = affine_map<(d0, d1) -> (0, 0)>
#map1 = affine_map<(d0, d1) -> (0, 0, 0)>
module attributes {stable_mosaic.version = 14 : i64} {
  func.func @_sc_body(%arg0: i32, %arg1: i32, %arg2: memref<10000x128xf32, #tpu.memory_space<hbm>>, %arg3: memref<10000x16xf32, #tpu.memory_space<hbm>>, %arg4: memref<32x80x125xi32, #tpu.memory_space<hbm>>, %arg5: memref<32x80x125xi32, #tpu.memory_space<hbm>>, %arg6: memref<625x128xf32, #tpu.memory_space<hbm>>, %arg7: memref<625x16xf32, #tpu.memory_space<hbm>>, %arg8: memref<20000x128xf32, #tpu.memory_space<hbm>>, %arg9: memref<20000x16xf32, #tpu.memory_space<hbm>>, %arg10: memref<3x2x125xi32, #tpu.memory_space<vmem>>, %arg11: memref<2x125x128xf32, #tpu.memory_space<vmem>>, %arg12: memref<2x125x16xf32, #tpu.memory_space<vmem>>, %arg13: memref<10000x128xf32, #tpu.memory_space<vmem_shared>>, %arg14: memref<10000x16xf32, #tpu.memory_space<vmem_shared>>, %arg15: memref<!tpu.dma_semaphore, #tpu.memory_space<semaphore_mem>>, %arg16: memref<!tpu.dma_semaphore, #tpu.memory_space<semaphore_mem>>, %arg17: memref<!tpu.dma_semaphore, #tpu.memory_space<semaphore_mem>>, %arg18: memref<!tpu.dma_semaphore, #tpu.memory_space<semaphore_mem>>) attributes {dimension_semantics = [#tpu.dimension_semantics<core_parallel>, #tpu.dimension_semantics<subcore_parallel>], iteration_bounds = array<i64: 2, 16>, scalar_prefetch = 0 : i64, scratch_operands = 9 : i64, tpu.core_type = #tpu.core_type<sc_vector_subcore>, window_params = [{transform_indices = #map}, {transform_indices = #map}, {transform_indices = #map1}, {transform_indices = #map1}, {transform_indices = #map}, {transform_indices = #map}, {transform_indices = #map}, {transform_indices = #map}]} {
    %mul3A = arith.constant 16 : i32
    %mul3A_0 = arith.muli %arg0, %mul3A : i32
    %add3A = arith.addi %mul3A_0, %arg1 : i32
    %mul3A_1 = arith.constant 625 : i32
    %mul3A_2 = arith.muli %arg1, %mul3A_1 : i32
    "tpu.region"() ({
      %run_scoped3A_139 = tpu.sem_alloc : memref<!tpu.dma_semaphore, #tpu.memory_space<semaphore_mem>>
      %dma_start3A_140 = arith.constant 0 : i32
      %dma_start3A_141 = tpu.memref_slice %arg13[%mul3A_2, %dma_start3A_140] : memref<10000x128xf32, #tpu.memory_space<vmem_shared>> -> memref<625x128xf32, #tpu.memory_space<vmem_shared>>
      tpu.enqueue_dma source(%arg6 : memref<625x128xf32, #tpu.memory_space<hbm>>) target(%dma_start3A_141 : memref<625x128xf32, #tpu.memory_space<vmem_shared>>) target_semaphore(%run_scoped3A_139 : memref<!tpu.dma_semaphore, #tpu.memory_space<semaphore_mem>>)
      %dma_wait3A_142 = arith.constant 0 : i32
      %dma_wait3A_143 = tpu.memref_slice %arg13[%mul3A_2, %dma_wait3A_142] : memref<10000x128xf32, #tpu.memory_space<vmem_shared>> -> memref<625x128xf32, #tpu.memory_space<vmem_shared>>
      tpu.wait_dma2 semaphore(%run_scoped3A_139 : memref<!tpu.dma_semaphore, #tpu.memory_space<semaphore_mem>>) src(%arg6 : memref<625x128xf32, #tpu.memory_space<hbm>>) dst(%dma_wait3A_143 : memref<625x128xf32, #tpu.memory_space<vmem_shared>>)
      tpu.yield
    }) : () -> ()
    %mul3A_3 = arith.constant 625 : i32
    %mul3A_4 = arith.muli %arg1, %mul3A_3 : i32
    "tpu.region"() ({
      %run_scoped3A_139 = tpu.sem_alloc : memref<!tpu.dma_semaphore, #tpu.memory_space<semaphore_mem>>
      %dma_start3A_140 = arith.constant 0 : i32
      %dma_start3A_141 = tpu.memref_slice %arg14[%mul3A_4, %dma_start3A_140] : memref<10000x16xf32, #tpu.memory_space<vmem_shared>> -> memref<625x16xf32, #tpu.memory_space<vmem_shared>>
      tpu.enqueue_dma source(%arg7 : memref<625x16xf32, #tpu.memory_space<hbm>>) target(%dma_start3A_141 : memref<625x16xf32, #tpu.memory_space<vmem_shared>>) target_semaphore(%run_scoped3A_139 : memref<!tpu.dma_semaphore, #tpu.memory_space<semaphore_mem>>)
      %dma_wait3A_142 = arith.constant 0 : i32
      %dma_wait3A_143 = tpu.memref_slice %arg14[%mul3A_4, %dma_wait3A_142] : memref<10000x16xf32, #tpu.memory_space<vmem_shared>> -> memref<625x16xf32, #tpu.memory_space<vmem_shared>>
      tpu.wait_dma2 semaphore(%run_scoped3A_139 : memref<!tpu.dma_semaphore, #tpu.memory_space<semaphore_mem>>) src(%arg7 : memref<625x16xf32, #tpu.memory_space<hbm>>) dst(%dma_wait3A_143 : memref<625x16xf32, #tpu.memory_space<vmem_shared>>)
      tpu.yield
    }) : () -> ()
    %barrier3A = arith.constant 0 : index
    tpu.barrier barrier_id(%barrier3A)
    %run_scoped3A = arith.constant 0 : i32
    %run_scoped3A_5 = arith.constant 0 : i32
    %run_scoped3A_6 = arith.constant 0 : i32
    "tpu.region"() ({
      %run_scoped3A_139 = tpu.sem_alloc : memref<!tpu.dma_semaphore, #tpu.memory_space<semaphore_mem>>
      %dma_start3A_140 = arith.constant 0 : i32
      %dma_start3A_141 = tpu.memref_slice %arg10[%run_scoped3A_5, %run_scoped3A_6, %dma_start3A_140] : memref<3x2x125xi32, #tpu.memory_space<vmem>> -> memref<1x1x125xi32, #tpu.memory_space<vmem>>
      %dma_start3A_142 = tpu.memref_squeeze %dma_start3A_141 : memref<1x1x125xi32, #tpu.memory_space<vmem>> -> memref<125xi32, #tpu.memory_space<vmem>>
      %dma_start3A_143 = arith.constant 0 : i32
      %dma_start3A_144 = tpu.memref_slice %arg4[%add3A, %run_scoped3A, %dma_start3A_143] : memref<32x80x125xi32, #tpu.memory_space<hbm>> -> memref<1x1x125xi32, #tpu.memory_space<hbm>>
      %dma_start3A_145 = tpu.memref_squeeze %dma_start3A_144 : memref<1x1x125xi32, #tpu.memory_space<hbm>> -> memref<125xi32, #tpu.memory_space<hbm>>
      %dma_start3A_146 = arith.constant 0 : i32
      %dma_start3A_147 = tpu.memref_slice %arg10[%run_scoped3A_5, %run_scoped3A_6, %dma_start3A_146] : memref<3x2x125xi32, #tpu.memory_space<vmem>> -> memref<1x1x125xi32, #tpu.memory_space<vmem>>
      %dma_start3A_148 = tpu.memref_squeeze %dma_start3A_147 : memref<1x1x125xi32, #tpu.memory_space<vmem>> -> memref<125xi32, #tpu.memory_space<vmem>>
      %dma_start3A_149 = arith.constant 0 : i32
      %dma_start3A_150 = tpu.memref_slice %arg4[%add3A, %run_scoped3A, %dma_start3A_149] : memref<32x80x125xi32, #tpu.memory_space<hbm>> -> memref<1x1x125xi32, #tpu.memory_space<hbm>>
      %dma_start3A_151 = tpu.memref_squeeze %dma_start3A_150 : memref<1x1x125xi32, #tpu.memory_space<hbm>> -> memref<125xi32, #tpu.memory_space<hbm>>
      tpu.enqueue_dma source(%dma_start3A_151 : memref<125xi32, #tpu.memory_space<hbm>>) target(%dma_start3A_148 : memref<125xi32, #tpu.memory_space<vmem>>) target_semaphore(%run_scoped3A_139 : memref<!tpu.dma_semaphore, #tpu.memory_space<semaphore_mem>>)
      %dma_wait3A_152 = arith.constant 0 : i32
      %dma_wait3A_153 = tpu.memref_slice %arg10[%run_scoped3A_5, %run_scoped3A_6, %dma_wait3A_152] : memref<3x2x125xi32, #tpu.memory_space<vmem>> -> memref<1x1x125xi32, #tpu.memory_space<vmem>>
      %dma_wait3A_154 = tpu.memref_squeeze %dma_wait3A_153 : memref<1x1x125xi32, #tpu.memory_space<vmem>> -> memref<125xi32, #tpu.memory_space<vmem>>
      %dma_wait3A_155 = arith.constant 0 : i32
      %dma_wait3A_156 = tpu.memref_slice %arg4[%add3A, %run_scoped3A, %dma_wait3A_155] : memref<32x80x125xi32, #tpu.memory_space<hbm>> -> memref<1x1x125xi32, #tpu.memory_space<hbm>>
      %dma_wait3A_157 = tpu.memref_squeeze %dma_wait3A_156 : memref<1x1x125xi32, #tpu.memory_space<hbm>> -> memref<125xi32, #tpu.memory_space<hbm>>
      %dma_wait3A_158 = arith.constant 0 : i32
      %dma_wait3A_159 = tpu.memref_slice %arg10[%run_scoped3A_5, %run_scoped3A_6, %dma_wait3A_158] : memref<3x2x125xi32, #tpu.memory_space<vmem>> -> memref<1x1x125xi32, #tpu.memory_space<vmem>>
      %dma_wait3A_160 = tpu.memref_squeeze %dma_wait3A_159 : memref<1x1x125xi32, #tpu.memory_space<vmem>> -> memref<125xi32, #tpu.memory_space<vmem>>
      %dma_wait3A_161 = arith.constant 0 : i32
      %dma_wait3A_162 = tpu.memref_slice %arg4[%add3A, %run_scoped3A, %dma_wait3A_161] : memref<32x80x125xi32, #tpu.memory_space<hbm>> -> memref<1x1x125xi32, #tpu.memory_space<hbm>>
      %dma_wait3A_163 = tpu.memref_squeeze %dma_wait3A_162 : memref<1x1x125xi32, #tpu.memory_space<hbm>> -> memref<125xi32, #tpu.memory_space<hbm>>
      tpu.wait_dma2 semaphore(%run_scoped3A_139 : memref<!tpu.dma_semaphore, #tpu.memory_space<semaphore_mem>>) src(%dma_wait3A_163 : memref<125xi32, #tpu.memory_space<hbm>>) dst(%dma_wait3A_160 : memref<125xi32, #tpu.memory_space<vmem>>)
      tpu.yield
    }) : () -> ()
    %run_scoped3A_7 = arith.constant 0 : i32
    %run_scoped3A_8 = arith.constant 0 : i32
    %run_scoped3A_9 = arith.constant 1 : i32
    "tpu.region"() ({
      %run_scoped3A_139 = tpu.sem_alloc : memref<!tpu.dma_semaphore, #tpu.memory_space<semaphore_mem>>
      %dma_start3A_140 = arith.constant 0 : i32
      %dma_start3A_141 = tpu.memref_slice %arg10[%run_scoped3A_8, %run_scoped3A_9, %dma_start3A_140] : memref<3x2x125xi32, #tpu.memory_space<vmem>> -> memref<1x1x125xi32, #tpu.memory_space<vmem>>
      %dma_start3A_142 = tpu.memref_squeeze %dma_start3A_141 : memref<1x1x125xi32, #tpu.memory_space<vmem>> -> memref<125xi32, #tpu.memory_space<vmem>>
      %dma_start3A_143 = arith.constant 0 : i32
      %dma_start3A_144 = tpu.memref_slice %arg5[%add3A, %run_scoped3A_7, %dma_start3A_143] : memref<32x80x125xi32, #tpu.memory_space<hbm>> -> memref<1x1x125xi32, #tpu.memory_space<hbm>>
      %dma_start3A_145 = tpu.memref_squeeze %dma_start3A_144 : memref<1x1x125xi32, #tpu.memory_space<hbm>> -> memref<125xi32, #tpu.memory_space<hbm>>
      %dma_start3A_146 = arith.constant 0 : i32
      %dma_start3A_147 = tpu.memref_slice %arg10[%run_scoped3A_8, %run_scoped3A_9, %dma_start3A_146] : memref<3x2x125xi32, #tpu.memory_space<vmem>> -> memref<1x1x125xi32, #tpu.memory_space<vmem>>
      %dma_start3A_148 = tpu.memref_squeeze %dma_start3A_147 : memref<1x1x125xi32, #tpu.memory_space<vmem>> -> memref<125xi32, #tpu.memory_space<vmem>>
      %dma_start3A_149 = arith.constant 0 : i32
      %dma_start3A_150 = tpu.memref_slice %arg5[%add3A, %run_scoped3A_7, %dma_start3A_149] : memref<32x80x125xi32, #tpu.memory_space<hbm>> -> memref<1x1x125xi32, #tpu.memory_space<hbm>>
      %dma_start3A_151 = tpu.memref_squeeze %dma_start3A_150 : memref<1x1x125xi32, #tpu.memory_space<hbm>> -> memref<125xi32, #tpu.memory_space<hbm>>
      tpu.enqueue_dma source(%dma_start3A_151 : memref<125xi32, #tpu.memory_space<hbm>>) target(%dma_start3A_148 : memref<125xi32, #tpu.memory_space<vmem>>) target_semaphore(%run_scoped3A_139 : memref<!tpu.dma_semaphore, #tpu.memory_space<semaphore_mem>>)
      %dma_wait3A_152 = arith.constant 0 : i32
      %dma_wait3A_153 = tpu.memref_slice %arg10[%run_scoped3A_8, %run_scoped3A_9, %dma_wait3A_152] : memref<3x2x125xi32, #tpu.memory_space<vmem>> -> memref<1x1x125xi32, #tpu.memory_space<vmem>>
      %dma_wait3A_154 = tpu.memref_squeeze %dma_wait3A_153 : memref<1x1x125xi32, #tpu.memory_space<vmem>> -> memref<125xi32, #tpu.memory_space<vmem>>
      %dma_wait3A_155 = arith.constant 0 : i32
      %dma_wait3A_156 = tpu.memref_slice %arg5[%add3A, %run_scoped3A_7, %dma_wait3A_155] : memref<32x80x125xi32, #tpu.memory_space<hbm>> -> memref<1x1x125xi32, #tpu.memory_space<hbm>>
      %dma_wait3A_157 = tpu.memref_squeeze %dma_wait3A_156 : memref<1x1x125xi32, #tpu.memory_space<hbm>> -> memref<125xi32, #tpu.memory_space<hbm>>
      %dma_wait3A_158 = arith.constant 0 : i32
      %dma_wait3A_159 = tpu.memref_slice %arg10[%run_scoped3A_8, %run_scoped3A_9, %dma_wait3A_158] : memref<3x2x125xi32, #tpu.memory_space<vmem>> -> memref<1x1x125xi32, #tpu.memory_space<vmem>>
      %dma_wait3A_160 = tpu.memref_squeeze %dma_wait3A_159 : memref<1x1x125xi32, #tpu.memory_space<vmem>> -> memref<125xi32, #tpu.memory_space<vmem>>
      %dma_wait3A_161 = arith.constant 0 : i32
      %dma_wait3A_162 = tpu.memref_slice %arg5[%add3A, %run_scoped3A_7, %dma_wait3A_161] : memref<32x80x125xi32, #tpu.memory_space<hbm>> -> memref<1x1x125xi32, #tpu.memory_space<hbm>>
      %dma_wait3A_163 = tpu.memref_squeeze %dma_wait3A_162 : memref<1x1x125xi32, #tpu.memory_space<hbm>> -> memref<125xi32, #tpu.memory_space<hbm>>
      tpu.wait_dma2 semaphore(%run_scoped3A_139 : memref<!tpu.dma_semaphore, #tpu.memory_space<semaphore_mem>>) src(%dma_wait3A_163 : memref<125xi32, #tpu.memory_space<hbm>>) dst(%dma_wait3A_160 : memref<125xi32, #tpu.memory_space<vmem>>)
      tpu.yield
    }) : () -> ()
    %dma_start3A = arith.constant 1 : i32
    %dma_start3A_10 = arith.constant 1 : i32
    %dma_start3A_11 = arith.constant 0 : i32
    %dma_start3A_12 = arith.constant 0 : i32
    %dma_start3A_13 = tpu.memref_slice %arg10[%dma_start3A_10, %dma_start3A_11, %dma_start3A_12] : memref<3x2x125xi32, #tpu.memory_space<vmem>> -> memref<1x1x125xi32, #tpu.memory_space<vmem>>
    %dma_start3A_14 = tpu.memref_squeeze %dma_start3A_13 : memref<1x1x125xi32, #tpu.memory_space<vmem>> -> memref<125xi32, #tpu.memory_space<vmem>>
    %dma_start3A_15 = arith.constant 0 : i32
    %dma_start3A_16 = tpu.memref_slice %arg4[%add3A, %dma_start3A, %dma_start3A_15] : memref<32x80x125xi32, #tpu.memory_space<hbm>> -> memref<1x1x125xi32, #tpu.memory_space<hbm>>
    %dma_start3A_17 = tpu.memref_squeeze %dma_start3A_16 : memref<1x1x125xi32, #tpu.memory_space<hbm>> -> memref<125xi32, #tpu.memory_space<hbm>>
    %dma_start3A_18 = arith.constant 0 : i32
    %dma_start3A_19 = tpu.memref_slice %arg10[%dma_start3A_10, %dma_start3A_11, %dma_start3A_18] : memref<3x2x125xi32, #tpu.memory_space<vmem>> -> memref<1x1x125xi32, #tpu.memory_space<vmem>>
    %dma_start3A_20 = tpu.memref_squeeze %dma_start3A_19 : memref<1x1x125xi32, #tpu.memory_space<vmem>> -> memref<125xi32, #tpu.memory_space<vmem>>
    %dma_start3A_21 = arith.constant 0 : i32
    %dma_start3A_22 = tpu.memref_slice %arg4[%add3A, %dma_start3A, %dma_start3A_21] : memref<32x80x125xi32, #tpu.memory_space<hbm>> -> memref<1x1x125xi32, #tpu.memory_space<hbm>>
    %dma_start3A_23 = tpu.memref_squeeze %dma_start3A_22 : memref<1x1x125xi32, #tpu.memory_space<hbm>> -> memref<125xi32, #tpu.memory_space<hbm>>
    tpu.enqueue_dma source(%dma_start3A_23 : memref<125xi32, #tpu.memory_space<hbm>>) target(%dma_start3A_20 : memref<125xi32, #tpu.memory_space<vmem>>) target_semaphore(%arg17 : memref<!tpu.dma_semaphore, #tpu.memory_space<semaphore_mem>>)
    %dma_start3A_24 = arith.constant 1 : i32
    %dma_start3A_25 = arith.constant 1 : i32
    %dma_start3A_26 = arith.constant 1 : i32
    %dma_start3A_27 = arith.constant 0 : i32
    %dma_start3A_28 = tpu.memref_slice %arg10[%dma_start3A_25, %dma_start3A_26, %dma_start3A_27] : memref<3x2x125xi32, #tpu.memory_space<vmem>> -> memref<1x1x125xi32, #tpu.memory_space<vmem>>
    %dma_start3A_29 = tpu.memref_squeeze %dma_start3A_28 : memref<1x1x125xi32, #tpu.memory_space<vmem>> -> memref<125xi32, #tpu.memory_space<vmem>>
    %dma_start3A_30 = arith.constant 0 : i32
    %dma_start3A_31 = tpu.memref_slice %arg5[%add3A, %dma_start3A_24, %dma_start3A_30] : memref<32x80x125xi32, #tpu.memory_space<hbm>> -> memref<1x1x125xi32, #tpu.memory_space<hbm>>
    %dma_start3A_32 = tpu.memref_squeeze %dma_start3A_31 : memref<1x1x125xi32, #tpu.memory_space<hbm>> -> memref<125xi32, #tpu.memory_space<hbm>>
    %dma_start3A_33 = arith.constant 0 : i32
    %dma_start3A_34 = tpu.memref_slice %arg10[%dma_start3A_25, %dma_start3A_26, %dma_start3A_33] : memref<3x2x125xi32, #tpu.memory_space<vmem>> -> memref<1x1x125xi32, #tpu.memory_space<vmem>>
    %dma_start3A_35 = tpu.memref_squeeze %dma_start3A_34 : memref<1x1x125xi32, #tpu.memory_space<vmem>> -> memref<125xi32, #tpu.memory_space<vmem>>
    %dma_start3A_36 = arith.constant 0 : i32
    %dma_start3A_37 = tpu.memref_slice %arg5[%add3A, %dma_start3A_24, %dma_start3A_36] : memref<32x80x125xi32, #tpu.memory_space<hbm>> -> memref<1x1x125xi32, #tpu.memory_space<hbm>>
    %dma_start3A_38 = tpu.memref_squeeze %dma_start3A_37 : memref<1x1x125xi32, #tpu.memory_space<hbm>> -> memref<125xi32, #tpu.memory_space<hbm>>
    tpu.enqueue_dma source(%dma_start3A_38 : memref<125xi32, #tpu.memory_space<hbm>>) target(%dma_start3A_35 : memref<125xi32, #tpu.memory_space<vmem>>) target_semaphore(%arg17 : memref<!tpu.dma_semaphore, #tpu.memory_space<semaphore_mem>>)
    %dma_start3A_39 = arith.constant 0 : i32
    %dma_start3A_40 = arith.constant 0 : i32
    %dma_start3A_41 = arith.constant 0 : i32
    %dma_start3A_42 = arith.constant 0 : i32
    %dma_start3A_43 = arith.constant 0 : i32
    %dma_start3A_44 = tpu.memref_slice %arg11[%dma_start3A_41, %dma_start3A_42, %dma_start3A_43] : memref<2x125x128xf32, #tpu.memory_space<vmem>> -> memref<1x125x128xf32, #tpu.memory_space<vmem>>
    %dma_start3A_45 = tpu.memref_squeeze %dma_start3A_44 : memref<1x125x128xf32, #tpu.memory_space<vmem>> -> memref<125x128xf32, #tpu.memory_space<vmem>>
    %dma_start3A_46 = arith.constant 0 : i32
    %dma_start3A_47 = tpu.memref_slice %arg10[%dma_start3A_39, %dma_start3A_40, %dma_start3A_46] : memref<3x2x125xi32, #tpu.memory_space<vmem>> -> memref<1x1x125xi32, #tpu.memory_space<vmem>>
    %dma_start3A_48 = tpu.memref_squeeze %dma_start3A_47 : memref<1x1x125xi32, #tpu.memory_space<vmem>> -> memref<125xi32, #tpu.memory_space<vmem>>
    %dma_start3A_49 = arith.constant 0 : i32
    %dma_start3A_50 = arith.constant 0 : i32
    %dma_start3A_51 = tpu.memref_slice %arg2[%dma_start3A_49, %dma_start3A_50] : memref<10000x128xf32, #tpu.memory_space<hbm>> -> memref<10000x128xf32, #tpu.memory_space<hbm>>
    tpu.enqueue_indirect_dma source(%dma_start3A_51 : memref<10000x128xf32, #tpu.memory_space<hbm>>) target(%dma_start3A_45 : memref<125x128xf32, #tpu.memory_space<vmem>>) offsets(%dma_start3A_48 : memref<125xi32, #tpu.memory_space<vmem>>) semaphore(%arg15 : memref<!tpu.dma_semaphore, #tpu.memory_space<semaphore_mem>>)
    %dma_start3A_52 = arith.constant 0 : i32
    %dma_start3A_53 = arith.constant 0 : i32
    %dma_start3A_54 = arith.constant 0 : i32
    %dma_start3A_55 = arith.constant 0 : i32
    %dma_start3A_56 = arith.constant 0 : i32
    %dma_start3A_57 = tpu.memref_slice %arg12[%dma_start3A_54, %dma_start3A_55, %dma_start3A_56] : memref<2x125x16xf32, #tpu.memory_space<vmem>> -> memref<1x125x16xf32, #tpu.memory_space<vmem>>
    %dma_start3A_58 = tpu.memref_squeeze %dma_start3A_57 : memref<1x125x16xf32, #tpu.memory_space<vmem>> -> memref<125x16xf32, #tpu.memory_space<vmem>>
    %dma_start3A_59 = arith.constant 0 : i32
    %dma_start3A_60 = tpu.memref_slice %arg10[%dma_start3A_52, %dma_start3A_53, %dma_start3A_59] : memref<3x2x125xi32, #tpu.memory_space<vmem>> -> memref<1x1x125xi32, #tpu.memory_space<vmem>>
    %dma_start3A_61 = tpu.memref_squeeze %dma_start3A_60 : memref<1x1x125xi32, #tpu.memory_space<vmem>> -> memref<125xi32, #tpu.memory_space<vmem>>
    %dma_start3A_62 = arith.constant 0 : i32
    %dma_start3A_63 = arith.constant 0 : i32
    %dma_start3A_64 = tpu.memref_slice %arg3[%dma_start3A_62, %dma_start3A_63] : memref<10000x16xf32, #tpu.memory_space<hbm>> -> memref<10000x16xf32, #tpu.memory_space<hbm>>
    tpu.enqueue_indirect_dma source(%dma_start3A_64 : memref<10000x16xf32, #tpu.memory_space<hbm>>) target(%dma_start3A_58 : memref<125x16xf32, #tpu.memory_space<vmem>>) offsets(%dma_start3A_61 : memref<125xi32, #tpu.memory_space<vmem>>) semaphore(%arg16 : memref<!tpu.dma_semaphore, #tpu.memory_space<semaphore_mem>>)
    %scan3A = arith.constant 0 : i32
    %scan3A_65 = arith.constant 0 : i32
    %scan3A_66 = arith.constant 80 : i32
    %scan3A_67 = arith.addi %scan3A_65, %scan3A_66 : i32
    %scan3A_68 = arith.constant 1 : i32
    scf.for %scan3A_139 = %scan3A_65 to %scan3A_67 step %scan3A_68  : i32 {
      %rem3A_140 = arith.constant 3 : i32
      %rem3A_141 = arith.remsi %scan3A_139, %rem3A_140 : i32
      %rem3A_142 = arith.constant 2 : i32
      %rem3A_143 = arith.remsi %scan3A_139, %rem3A_142 : i32
      %add3A_144 = arith.constant 1 : i32
      %add3A_145 = arith.addi %scan3A_139, %add3A_144 : i32
      %rem3A_146 = arith.constant 3 : i32
      %rem3A_147 = arith.remsi %add3A_145, %rem3A_146 : i32
      %add3A_148 = arith.constant 1 : i32
      %add3A_149 = arith.addi %scan3A_139, %add3A_148 : i32
      %lt3A = arith.constant 80 : i32
      %lt3A_150 = arith.cmpi slt, %add3A_149, %lt3A : i32
      %convert_element_type3A = arith.extui %lt3A_150 : i1 to i32
      %cond3A = arith.constant 0 : i32
      %cond3A_151 = arith.cmpi ne, %convert_element_type3A, %cond3A : i32
      scf.if %cond3A_151 {
        %add3A_203 = arith.constant 1 : i32
        %add3A_204 = arith.addi %scan3A_139, %add3A_203 : i32
        %dma_wait3A_205 = arith.constant 0 : i32
        %dma_wait3A_206 = arith.constant 0 : i32
        %dma_wait3A_207 = tpu.memref_slice %arg10[%rem3A_147, %dma_wait3A_205, %dma_wait3A_206] : memref<3x2x125xi32, #tpu.memory_space<vmem>> -> memref<1x1x125xi32, #tpu.memory_space<vmem>>
        %dma_wait3A_208 = tpu.memref_squeeze %dma_wait3A_207 : memref<1x1x125xi32, #tpu.memory_space<vmem>> -> memref<125xi32, #tpu.memory_space<vmem>>
        %dma_wait3A_209 = arith.constant 0 : i32
        %dma_wait3A_210 = tpu.memref_slice %arg4[%add3A, %add3A_204, %dma_wait3A_209] : memref<32x80x125xi32, #tpu.memory_space<hbm>> -> memref<1x1x125xi32, #tpu.memory_space<hbm>>
        %dma_wait3A_211 = tpu.memref_squeeze %dma_wait3A_210 : memref<1x1x125xi32, #tpu.memory_space<hbm>> -> memref<125xi32, #tpu.memory_space<hbm>>
        %dma_wait3A_212 = arith.constant 0 : i32
        %dma_wait3A_213 = tpu.memref_slice %arg10[%rem3A_147, %dma_wait3A_205, %dma_wait3A_212] : memref<3x2x125xi32, #tpu.memory_space<vmem>> -> memref<1x1x125xi32, #tpu.memory_space<vmem>>
        %dma_wait3A_214 = tpu.memref_squeeze %dma_wait3A_213 : memref<1x1x125xi32, #tpu.memory_space<vmem>> -> memref<125xi32, #tpu.memory_space<vmem>>
        %dma_wait3A_215 = arith.constant 0 : i32
        %dma_wait3A_216 = tpu.memref_slice %arg4[%add3A, %add3A_204, %dma_wait3A_215] : memref<32x80x125xi32, #tpu.memory_space<hbm>> -> memref<1x1x125xi32, #tpu.memory_space<hbm>>
        %dma_wait3A_217 = tpu.memref_squeeze %dma_wait3A_216 : memref<1x1x125xi32, #tpu.memory_space<hbm>> -> memref<125xi32, #tpu.memory_space<hbm>>
        tpu.wait_dma2 semaphore(%arg17 : memref<!tpu.dma_semaphore, #tpu.memory_space<semaphore_mem>>) src(%dma_wait3A_217 : memref<125xi32, #tpu.memory_space<hbm>>) dst(%dma_wait3A_214 : memref<125xi32, #tpu.memory_space<vmem>>)
        %dma_wait3A_218 = arith.constant 1 : i32
        %dma_wait3A_219 = arith.constant 0 : i32
        %dma_wait3A_220 = tpu.memref_slice %arg10[%rem3A_147, %dma_wait3A_218, %dma_wait3A_219] : memref<3x2x125xi32, #tpu.memory_space<vmem>> -> memref<1x1x125xi32, #tpu.memory_space<vmem>>
        %dma_wait3A_221 = tpu.memref_squeeze %dma_wait3A_220 : memref<1x1x125xi32, #tpu.memory_space<vmem>> -> memref<125xi32, #tpu.memory_space<vmem>>
        %dma_wait3A_222 = arith.constant 0 : i32
        %dma_wait3A_223 = tpu.memref_slice %arg5[%add3A, %add3A_204, %dma_wait3A_222] : memref<32x80x125xi32, #tpu.memory_space<hbm>> -> memref<1x1x125xi32, #tpu.memory_space<hbm>>
        %dma_wait3A_224 = tpu.memref_squeeze %dma_wait3A_223 : memref<1x1x125xi32, #tpu.memory_space<hbm>> -> memref<125xi32, #tpu.memory_space<hbm>>
        %dma_wait3A_225 = arith.constant 0 : i32
        %dma_wait3A_226 = tpu.memref_slice %arg10[%rem3A_147, %dma_wait3A_218, %dma_wait3A_225] : memref<3x2x125xi32, #tpu.memory_space<vmem>> -> memref<1x1x125xi32, #tpu.memory_space<vmem>>
        %dma_wait3A_227 = tpu.memref_squeeze %dma_wait3A_226 : memref<1x1x125xi32, #tpu.memory_space<vmem>> -> memref<125xi32, #tpu.memory_space<vmem>>
        %dma_wait3A_228 = arith.constant 0 : i32
        %dma_wait3A_229 = tpu.memref_slice %arg5[%add3A, %add3A_204, %dma_wait3A_228] : memref<32x80x125xi32, #tpu.memory_space<hbm>> -> memref<1x1x125xi32, #tpu.memory_space<hbm>>
        %dma_wait3A_230 = tpu.memref_squeeze %dma_wait3A_229 : memref<1x1x125xi32, #tpu.memory_space<hbm>> -> memref<125xi32, #tpu.memory_space<hbm>>
        tpu.wait_dma2 semaphore(%arg17 : memref<!tpu.dma_semaphore, #tpu.memory_space<semaphore_mem>>) src(%dma_wait3A_230 : memref<125xi32, #tpu.memory_space<hbm>>) dst(%dma_wait3A_227 : memref<125xi32, #tpu.memory_space<vmem>>)
        %ge3A = arith.constant 1 : i32
        %ge3A_231 = arith.cmpi sge, %scan3A_139, %ge3A : i32
        %convert_element_type3A_232 = arith.extui %ge3A_231 : i1 to i32
        %cond3A_233 = arith.constant 0 : i32
        %cond3A_234 = arith.cmpi ne, %convert_element_type3A_232, %cond3A_233 : i32
        scf.if %cond3A_234 {
          %sub3A_258 = arith.constant 1 : i32
          %sub3A_259 = arith.subi %scan3A_139, %sub3A_258 : i32
          %rem3A_260 = arith.constant 3 : i32
          %rem3A_261 = arith.remsi %sub3A_259, %rem3A_260 : i32
          %sub3A_262 = arith.constant 1 : i32
          %sub3A_263 = arith.subi %sub3A_262, %rem3A_143 : i32
          %dma_wait3A_264 = arith.constant 1 : i32
          %dma_wait3A_265 = arith.constant 0 : i32
          %dma_wait3A_266 = arith.constant 0 : i32
          %dma_wait3A_267 = tpu.memref_slice %arg11[%sub3A_263, %dma_wait3A_265, %dma_wait3A_266] : memref<2x125x128xf32, #tpu.memory_space<vmem>> -> memref<1x125x128xf32, #tpu.memory_space<vmem>>
          %dma_wait3A_268 = tpu.memref_squeeze %dma_wait3A_267 : memref<1x125x128xf32, #tpu.memory_space<vmem>> -> memref<125x128xf32, #tpu.memory_space<vmem>>
          %dma_wait3A_269 = arith.constant 0 : i32
          %dma_wait3A_270 = tpu.memref_slice %arg10[%rem3A_261, %dma_wait3A_264, %dma_wait3A_269] : memref<3x2x125xi32, #tpu.memory_space<vmem>> -> memref<1x1x125xi32, #tpu.memory_space<vmem>>
          %dma_wait3A_271 = tpu.memref_squeeze %dma_wait3A_270 : memref<1x1x125xi32, #tpu.memory_space<vmem>> -> memref<125xi32, #tpu.memory_space<vmem>>
          %dma_wait3A_272 = arith.constant 0 : i32
          %dma_wait3A_273 = arith.constant 0 : i32
          %dma_wait3A_274 = tpu.memref_slice %arg13[%dma_wait3A_272, %dma_wait3A_273] : memref<10000x128xf32, #tpu.memory_space<vmem_shared>> -> memref<10000x128xf32, #tpu.memory_space<vmem_shared>>
          tpu.wait_indirect_dma semaphore(%arg18 : memref<!tpu.dma_semaphore, #tpu.memory_space<semaphore_mem>>) src(%dma_wait3A_268 : memref<125x128xf32, #tpu.memory_space<vmem>>) dst(%dma_wait3A_274 : memref<10000x128xf32, #tpu.memory_space<vmem_shared>>)
          %dma_wait3A_275 = arith.constant 1 : i32
          %dma_wait3A_276 = arith.constant 0 : i32
          %dma_wait3A_277 = arith.constant 0 : i32
          %dma_wait3A_278 = tpu.memref_slice %arg12[%sub3A_263, %dma_wait3A_276, %dma_wait3A_277] : memref<2x125x16xf32, #tpu.memory_space<vmem>> -> memref<1x125x16xf32, #tpu.memory_space<vmem>>
          %dma_wait3A_279 = tpu.memref_squeeze %dma_wait3A_278 : memref<1x125x16xf32, #tpu.memory_space<vmem>> -> memref<125x16xf32, #tpu.memory_space<vmem>>
          %dma_wait3A_280 = arith.constant 0 : i32
          %dma_wait3A_281 = tpu.memref_slice %arg10[%rem3A_261, %dma_wait3A_275, %dma_wait3A_280] : memref<3x2x125xi32, #tpu.memory_space<vmem>> -> memref<1x1x125xi32, #tpu.memory_space<vmem>>
          %dma_wait3A_282 = tpu.memref_squeeze %dma_wait3A_281 : memref<1x1x125xi32, #tpu.memory_space<vmem>> -> memref<125xi32, #tpu.memory_space<vmem>>
          %dma_wait3A_283 = arith.constant 0 : i32
          %dma_wait3A_284 = arith.constant 0 : i32
          %dma_wait3A_285 = tpu.memref_slice %arg14[%dma_wait3A_283, %dma_wait3A_284] : memref<10000x16xf32, #tpu.memory_space<vmem_shared>> -> memref<10000x16xf32, #tpu.memory_space<vmem_shared>>
          tpu.wait_indirect_dma semaphore(%arg18 : memref<!tpu.dma_semaphore, #tpu.memory_space<semaphore_mem>>) src(%dma_wait3A_279 : memref<125x16xf32, #tpu.memory_space<vmem>>) dst(%dma_wait3A_285 : memref<10000x16xf32, #tpu.memory_space<vmem_shared>>)
        } else {
        }
        %sub3A = arith.constant 1 : i32
        %sub3A_235 = arith.subi %sub3A, %rem3A_143 : i32
        %dma_start3A_236 = arith.constant 0 : i32
        %dma_start3A_237 = arith.constant 0 : i32
        %dma_start3A_238 = arith.constant 0 : i32
        %dma_start3A_239 = tpu.memref_slice %arg11[%sub3A_235, %dma_start3A_237, %dma_start3A_238] : memref<2x125x128xf32, #tpu.memory_space<vmem>> -> memref<1x125x128xf32, #tpu.memory_space<vmem>>
        %dma_start3A_240 = tpu.memref_squeeze %dma_start3A_239 : memref<1x125x128xf32, #tpu.memory_space<vmem>> -> memref<125x128xf32, #tpu.memory_space<vmem>>
        %dma_start3A_241 = arith.constant 0 : i32
        %dma_start3A_242 = tpu.memref_slice %arg10[%rem3A_147, %dma_start3A_236, %dma_start3A_241] : memref<3x2x125xi32, #tpu.memory_space<vmem>> -> memref<1x1x125xi32, #tpu.memory_space<vmem>>
        %dma_start3A_243 = tpu.memref_squeeze %dma_start3A_242 : memref<1x1x125xi32, #tpu.memory_space<vmem>> -> memref<125xi32, #tpu.memory_space<vmem>>
        %dma_start3A_244 = arith.constant 0 : i32
        %dma_start3A_245 = arith.constant 0 : i32
        %dma_start3A_246 = tpu.memref_slice %arg2[%dma_start3A_244, %dma_start3A_245] : memref<10000x128xf32, #tpu.memory_space<hbm>> -> memref<10000x128xf32, #tpu.memory_space<hbm>>
        tpu.enqueue_indirect_dma source(%dma_start3A_246 : memref<10000x128xf32, #tpu.memory_space<hbm>>) target(%dma_start3A_240 : memref<125x128xf32, #tpu.memory_space<vmem>>) offsets(%dma_start3A_243 : memref<125xi32, #tpu.memory_space<vmem>>) semaphore(%arg15 : memref<!tpu.dma_semaphore, #tpu.memory_space<semaphore_mem>>)
        %dma_start3A_247 = arith.constant 0 : i32
        %dma_start3A_248 = arith.constant 0 : i32
        %dma_start3A_249 = arith.constant 0 : i32
        %dma_start3A_250 = tpu.memref_slice %arg12[%sub3A_235, %dma_start3A_248, %dma_start3A_249] : memref<2x125x16xf32, #tpu.memory_space<vmem>> -> memref<1x125x16xf32, #tpu.memory_space<vmem>>
        %dma_start3A_251 = tpu.memref_squeeze %dma_start3A_250 : memref<1x125x16xf32, #tpu.memory_space<vmem>> -> memref<125x16xf32, #tpu.memory_space<vmem>>
        %dma_start3A_252 = arith.constant 0 : i32
        %dma_start3A_253 = tpu.memref_slice %arg10[%rem3A_147, %dma_start3A_247, %dma_start3A_252] : memref<3x2x125xi32, #tpu.memory_space<vmem>> -> memref<1x1x125xi32, #tpu.memory_space<vmem>>
        %dma_start3A_254 = tpu.memref_squeeze %dma_start3A_253 : memref<1x1x125xi32, #tpu.memory_space<vmem>> -> memref<125xi32, #tpu.memory_space<vmem>>
        %dma_start3A_255 = arith.constant 0 : i32
        %dma_start3A_256 = arith.constant 0 : i32
        %dma_start3A_257 = tpu.memref_slice %arg3[%dma_start3A_255, %dma_start3A_256] : memref<10000x16xf32, #tpu.memory_space<hbm>> -> memref<10000x16xf32, #tpu.memory_space<hbm>>
        tpu.enqueue_indirect_dma source(%dma_start3A_257 : memref<10000x16xf32, #tpu.memory_space<hbm>>) target(%dma_start3A_251 : memref<125x16xf32, #tpu.memory_space<vmem>>) offsets(%dma_start3A_254 : memref<125xi32, #tpu.memory_space<vmem>>) semaphore(%arg16 : memref<!tpu.dma_semaphore, #tpu.memory_space<semaphore_mem>>)
      } else {
      }
      %add3A_152 = arith.constant 2 : i32
      %add3A_153 = arith.addi %scan3A_139, %add3A_152 : i32
      %lt3A_154 = arith.constant 80 : i32
      %lt3A_155 = arith.cmpi slt, %add3A_153, %lt3A_154 : i32
      %convert_element_type3A_156 = arith.extui %lt3A_155 : i1 to i32
      %cond3A_157 = arith.constant 0 : i32
      %cond3A_158 = arith.cmpi ne, %convert_element_type3A_156, %cond3A_157 : i32
      scf.if %cond3A_158 {
        %add3A_203 = arith.constant 2 : i32
        %add3A_204 = arith.addi %scan3A_139, %add3A_203 : i32
        %add3A_205 = arith.constant 2 : i32
        %add3A_206 = arith.addi %scan3A_139, %add3A_205 : i32
        %rem3A_207 = arith.constant 3 : i32
        %rem3A_208 = arith.remsi %add3A_206, %rem3A_207 : i32
        %dma_start3A_209 = arith.constant 0 : i32
        %dma_start3A_210 = arith.constant 0 : i32
        %dma_start3A_211 = tpu.memref_slice %arg10[%rem3A_208, %dma_start3A_209, %dma_start3A_210] : memref<3x2x125xi32, #tpu.memory_space<vmem>> -> memref<1x1x125xi32, #tpu.memory_space<vmem>>
        %dma_start3A_212 = tpu.memref_squeeze %dma_start3A_211 : memref<1x1x125xi32, #tpu.memory_space<vmem>> -> memref<125xi32, #tpu.memory_space<vmem>>
        %dma_start3A_213 = arith.constant 0 : i32
        %dma_start3A_214 = tpu.memref_slice %arg4[%add3A, %add3A_204, %dma_start3A_213] : memref<32x80x125xi32, #tpu.memory_space<hbm>> -> memref<1x1x125xi32, #tpu.memory_space<hbm>>
        %dma_start3A_215 = tpu.memref_squeeze %dma_start3A_214 : memref<1x1x125xi32, #tpu.memory_space<hbm>> -> memref<125xi32, #tpu.memory_space<hbm>>
        %dma_start3A_216 = arith.constant 0 : i32
        %dma_start3A_217 = tpu.memref_slice %arg10[%rem3A_208, %dma_start3A_209, %dma_start3A_216] : memref<3x2x125xi32, #tpu.memory_space<vmem>> -> memref<1x1x125xi32, #tpu.memory_space<vmem>>
        %dma_start3A_218 = tpu.memref_squeeze %dma_start3A_217 : memref<1x1x125xi32, #tpu.memory_space<vmem>> -> memref<125xi32, #tpu.memory_space<vmem>>
        %dma_start3A_219 = arith.constant 0 : i32
        %dma_start3A_220 = tpu.memref_slice %arg4[%add3A, %add3A_204, %dma_start3A_219] : memref<32x80x125xi32, #tpu.memory_space<hbm>> -> memref<1x1x125xi32, #tpu.memory_space<hbm>>
        %dma_start3A_221 = tpu.memref_squeeze %dma_start3A_220 : memref<1x1x125xi32, #tpu.memory_space<hbm>> -> memref<125xi32, #tpu.memory_space<hbm>>
        tpu.enqueue_dma source(%dma_start3A_221 : memref<125xi32, #tpu.memory_space<hbm>>) target(%dma_start3A_218 : memref<125xi32, #tpu.memory_space<vmem>>) target_semaphore(%arg17 : memref<!tpu.dma_semaphore, #tpu.memory_space<semaphore_mem>>)
        %dma_start3A_222 = arith.constant 1 : i32
        %dma_start3A_223 = arith.constant 0 : i32
        %dma_start3A_224 = tpu.memref_slice %arg10[%rem3A_208, %dma_start3A_222, %dma_start3A_223] : memref<3x2x125xi32, #tpu.memory_space<vmem>> -> memref<1x1x125xi32, #tpu.memory_space<vmem>>
        %dma_start3A_225 = tpu.memref_squeeze %dma_start3A_224 : memref<1x1x125xi32, #tpu.memory_space<vmem>> -> memref<125xi32, #tpu.memory_space<vmem>>
        %dma_start3A_226 = arith.constant 0 : i32
        %dma_start3A_227 = tpu.memref_slice %arg5[%add3A, %add3A_204, %dma_start3A_226] : memref<32x80x125xi32, #tpu.memory_space<hbm>> -> memref<1x1x125xi32, #tpu.memory_space<hbm>>
        %dma_start3A_228 = tpu.memref_squeeze %dma_start3A_227 : memref<1x1x125xi32, #tpu.memory_space<hbm>> -> memref<125xi32, #tpu.memory_space<hbm>>
        %dma_start3A_229 = arith.constant 0 : i32
        %dma_start3A_230 = tpu.memref_slice %arg10[%rem3A_208, %dma_start3A_222, %dma_start3A_229] : memref<3x2x125xi32, #tpu.memory_space<vmem>> -> memref<1x1x125xi32, #tpu.memory_space<vmem>>
        %dma_start3A_231 = tpu.memref_squeeze %dma_start3A_230 : memref<1x1x125xi32, #tpu.memory_space<vmem>> -> memref<125xi32, #tpu.memory_space<vmem>>
        %dma_start3A_232 = arith.constant 0 : i32
        %dma_start3A_233 = tpu.memref_slice %arg5[%add3A, %add3A_204, %dma_start3A_232] : memref<32x80x125xi32, #tpu.memory_space<hbm>> -> memref<1x1x125xi32, #tpu.memory_space<hbm>>
        %dma_start3A_234 = tpu.memref_squeeze %dma_start3A_233 : memref<1x1x125xi32, #tpu.memory_space<hbm>> -> memref<125xi32, #tpu.memory_space<hbm>>
        tpu.enqueue_dma source(%dma_start3A_234 : memref<125xi32, #tpu.memory_space<hbm>>) target(%dma_start3A_231 : memref<125xi32, #tpu.memory_space<vmem>>) target_semaphore(%arg17 : memref<!tpu.dma_semaphore, #tpu.memory_space<semaphore_mem>>)
      } else {
      }
      %dma_wait3A_159 = arith.constant 0 : i32
      %dma_wait3A_160 = arith.constant 0 : i32
      %dma_wait3A_161 = arith.constant 0 : i32
      %dma_wait3A_162 = tpu.memref_slice %arg11[%rem3A_143, %dma_wait3A_160, %dma_wait3A_161] : memref<2x125x128xf32, #tpu.memory_space<vmem>> -> memref<1x125x128xf32, #tpu.memory_space<vmem>>
      %dma_wait3A_163 = tpu.memref_squeeze %dma_wait3A_162 : memref<1x125x128xf32, #tpu.memory_space<vmem>> -> memref<125x128xf32, #tpu.memory_space<vmem>>
      %dma_wait3A_164 = arith.constant 0 : i32
      %dma_wait3A_165 = tpu.memref_slice %arg10[%rem3A_141, %dma_wait3A_159, %dma_wait3A_164] : memref<3x2x125xi32, #tpu.memory_space<vmem>> -> memref<1x1x125xi32, #tpu.memory_space<vmem>>
      %dma_wait3A_166 = tpu.memref_squeeze %dma_wait3A_165 : memref<1x1x125xi32, #tpu.memory_space<vmem>> -> memref<125xi32, #tpu.memory_space<vmem>>
      %dma_wait3A_167 = arith.constant 0 : i32
      %dma_wait3A_168 = arith.constant 0 : i32
      %dma_wait3A_169 = tpu.memref_slice %arg2[%dma_wait3A_167, %dma_wait3A_168] : memref<10000x128xf32, #tpu.memory_space<hbm>> -> memref<10000x128xf32, #tpu.memory_space<hbm>>
      tpu.wait_indirect_dma semaphore(%arg15 : memref<!tpu.dma_semaphore, #tpu.memory_space<semaphore_mem>>) src(%dma_wait3A_169 : memref<10000x128xf32, #tpu.memory_space<hbm>>) dst(%dma_wait3A_163 : memref<125x128xf32, #tpu.memory_space<vmem>>)
      %dma_wait3A_170 = arith.constant 0 : i32
      %dma_wait3A_171 = arith.constant 0 : i32
      %dma_wait3A_172 = arith.constant 0 : i32
      %dma_wait3A_173 = tpu.memref_slice %arg12[%rem3A_143, %dma_wait3A_171, %dma_wait3A_172] : memref<2x125x16xf32, #tpu.memory_space<vmem>> -> memref<1x125x16xf32, #tpu.memory_space<vmem>>
      %dma_wait3A_174 = tpu.memref_squeeze %dma_wait3A_173 : memref<1x125x16xf32, #tpu.memory_space<vmem>> -> memref<125x16xf32, #tpu.memory_space<vmem>>
      %dma_wait3A_175 = arith.constant 0 : i32
      %dma_wait3A_176 = tpu.memref_slice %arg10[%rem3A_141, %dma_wait3A_170, %dma_wait3A_175] : memref<3x2x125xi32, #tpu.memory_space<vmem>> -> memref<1x1x125xi32, #tpu.memory_space<vmem>>
      %dma_wait3A_177 = tpu.memref_squeeze %dma_wait3A_176 : memref<1x1x125xi32, #tpu.memory_space<vmem>> -> memref<125xi32, #tpu.memory_space<vmem>>
      %dma_wait3A_178 = arith.constant 0 : i32
      %dma_wait3A_179 = arith.constant 0 : i32
      %dma_wait3A_180 = tpu.memref_slice %arg3[%dma_wait3A_178, %dma_wait3A_179] : memref<10000x16xf32, #tpu.memory_space<hbm>> -> memref<10000x16xf32, #tpu.memory_space<hbm>>
      tpu.wait_indirect_dma semaphore(%arg16 : memref<!tpu.dma_semaphore, #tpu.memory_space<semaphore_mem>>) src(%dma_wait3A_180 : memref<10000x16xf32, #tpu.memory_space<hbm>>) dst(%dma_wait3A_174 : memref<125x16xf32, #tpu.memory_space<vmem>>)
      %dma_start3A_181 = arith.constant 1 : i32
      %dma_start3A_182 = arith.constant 0 : i32
      %dma_start3A_183 = arith.constant 0 : i32
      %dma_start3A_184 = tpu.memref_slice %arg11[%rem3A_143, %dma_start3A_182, %dma_start3A_183] : memref<2x125x128xf32, #tpu.memory_space<vmem>> -> memref<1x125x128xf32, #tpu.memory_space<vmem>>
      %dma_start3A_185 = tpu.memref_squeeze %dma_start3A_184 : memref<1x125x128xf32, #tpu.memory_space<vmem>> -> memref<125x128xf32, #tpu.memory_space<vmem>>
      %dma_start3A_186 = arith.constant 0 : i32
      %dma_start3A_187 = tpu.memref_slice %arg10[%rem3A_141, %dma_start3A_181, %dma_start3A_186] : memref<3x2x125xi32, #tpu.memory_space<vmem>> -> memref<1x1x125xi32, #tpu.memory_space<vmem>>
      %dma_start3A_188 = tpu.memref_squeeze %dma_start3A_187 : memref<1x1x125xi32, #tpu.memory_space<vmem>> -> memref<125xi32, #tpu.memory_space<vmem>>
      %dma_start3A_189 = arith.constant 0 : i32
      %dma_start3A_190 = arith.constant 0 : i32
      %dma_start3A_191 = tpu.memref_slice %arg13[%dma_start3A_189, %dma_start3A_190] : memref<10000x128xf32, #tpu.memory_space<vmem_shared>> -> memref<10000x128xf32, #tpu.memory_space<vmem_shared>>
      tpu.enqueue_indirect_dma source(%dma_start3A_185 : memref<125x128xf32, #tpu.memory_space<vmem>>) target(%dma_start3A_191 : memref<10000x128xf32, #tpu.memory_space<vmem_shared>>) offsets(%dma_start3A_188 : memref<125xi32, #tpu.memory_space<vmem>>) semaphore(%arg18 : memref<!tpu.dma_semaphore, #tpu.memory_space<semaphore_mem>>) {add = true}
      %dma_start3A_192 = arith.constant 1 : i32
      %dma_start3A_193 = arith.constant 0 : i32
      %dma_start3A_194 = arith.constant 0 : i32
      %dma_start3A_195 = tpu.memref_slice %arg12[%rem3A_143, %dma_start3A_193, %dma_start3A_194] : memref<2x125x16xf32, #tpu.memory_space<vmem>> -> memref<1x125x16xf32, #tpu.memory_space<vmem>>
      %dma_start3A_196 = tpu.memref_squeeze %dma_start3A_195 : memref<1x125x16xf32, #tpu.memory_space<vmem>> -> memref<125x16xf32, #tpu.memory_space<vmem>>
      %dma_start3A_197 = arith.constant 0 : i32
      %dma_start3A_198 = tpu.memref_slice %arg10[%rem3A_141, %dma_start3A_192, %dma_start3A_197] : memref<3x2x125xi32, #tpu.memory_space<vmem>> -> memref<1x1x125xi32, #tpu.memory_space<vmem>>
      %dma_start3A_199 = tpu.memref_squeeze %dma_start3A_198 : memref<1x1x125xi32, #tpu.memory_space<vmem>> -> memref<125xi32, #tpu.memory_space<vmem>>
      %dma_start3A_200 = arith.constant 0 : i32
      %dma_start3A_201 = arith.constant 0 : i32
      %dma_start3A_202 = tpu.memref_slice %arg14[%dma_start3A_200, %dma_start3A_201] : memref<10000x16xf32, #tpu.memory_space<vmem_shared>> -> memref<10000x16xf32, #tpu.memory_space<vmem_shared>>
      tpu.enqueue_indirect_dma source(%dma_start3A_196 : memref<125x16xf32, #tpu.memory_space<vmem>>) target(%dma_start3A_202 : memref<10000x16xf32, #tpu.memory_space<vmem_shared>>) offsets(%dma_start3A_199 : memref<125xi32, #tpu.memory_space<vmem>>) semaphore(%arg18 : memref<!tpu.dma_semaphore, #tpu.memory_space<semaphore_mem>>) {add = true}
    }
    %scan3A_69 = arith.constant 80 : i32
    %rem3A = arith.constant 78 : i32
    %rem3A_70 = arith.constant 3 : i32
    %rem3A_71 = arith.remsi %rem3A, %rem3A_70 : i32
    %rem3A_72 = arith.constant 78 : i32
    %rem3A_73 = arith.constant 2 : i32
    %rem3A_74 = arith.remsi %rem3A_72, %rem3A_73 : i32
    %dma_wait3A = arith.constant 1 : i32
    %dma_wait3A_75 = arith.constant 0 : i32
    %dma_wait3A_76 = arith.constant 0 : i32
    %dma_wait3A_77 = tpu.memref_slice %arg11[%rem3A_74, %dma_wait3A_75, %dma_wait3A_76] : memref<2x125x128xf32, #tpu.memory_space<vmem>> -> memref<1x125x128xf32, #tpu.memory_space<vmem>>
    %dma_wait3A_78 = tpu.memref_squeeze %dma_wait3A_77 : memref<1x125x128xf32, #tpu.memory_space<vmem>> -> memref<125x128xf32, #tpu.memory_space<vmem>>
    %dma_wait3A_79 = arith.constant 0 : i32
    %dma_wait3A_80 = tpu.memref_slice %arg10[%rem3A_71, %dma_wait3A, %dma_wait3A_79] : memref<3x2x125xi32, #tpu.memory_space<vmem>> -> memref<1x1x125xi32, #tpu.memory_space<vmem>>
    %dma_wait3A_81 = tpu.memref_squeeze %dma_wait3A_80 : memref<1x1x125xi32, #tpu.memory_space<vmem>> -> memref<125xi32, #tpu.memory_space<vmem>>
    %dma_wait3A_82 = arith.constant 0 : i32
    %dma_wait3A_83 = arith.constant 0 : i32
    %dma_wait3A_84 = tpu.memref_slice %arg13[%dma_wait3A_82, %dma_wait3A_83] : memref<10000x128xf32, #tpu.memory_space<vmem_shared>> -> memref<10000x128xf32, #tpu.memory_space<vmem_shared>>
    tpu.wait_indirect_dma semaphore(%arg18 : memref<!tpu.dma_semaphore, #tpu.memory_space<semaphore_mem>>) src(%dma_wait3A_78 : memref<125x128xf32, #tpu.memory_space<vmem>>) dst(%dma_wait3A_84 : memref<10000x128xf32, #tpu.memory_space<vmem_shared>>)
    %dma_wait3A_85 = arith.constant 1 : i32
    %dma_wait3A_86 = arith.constant 0 : i32
    %dma_wait3A_87 = arith.constant 0 : i32
    %dma_wait3A_88 = tpu.memref_slice %arg12[%rem3A_74, %dma_wait3A_86, %dma_wait3A_87] : memref<2x125x16xf32, #tpu.memory_space<vmem>> -> memref<1x125x16xf32, #tpu.memory_space<vmem>>
    %dma_wait3A_89 = tpu.memref_squeeze %dma_wait3A_88 : memref<1x125x16xf32, #tpu.memory_space<vmem>> -> memref<125x16xf32, #tpu.memory_space<vmem>>
    %dma_wait3A_90 = arith.constant 0 : i32
    %dma_wait3A_91 = tpu.memref_slice %arg10[%rem3A_71, %dma_wait3A_85, %dma_wait3A_90] : memref<3x2x125xi32, #tpu.memory_space<vmem>> -> memref<1x1x125xi32, #tpu.memory_space<vmem>>
    %dma_wait3A_92 = tpu.memref_squeeze %dma_wait3A_91 : memref<1x1x125xi32, #tpu.memory_space<vmem>> -> memref<125xi32, #tpu.memory_space<vmem>>
    %dma_wait3A_93 = arith.constant 0 : i32
    %dma_wait3A_94 = arith.constant 0 : i32
    %dma_wait3A_95 = tpu.memref_slice %arg14[%dma_wait3A_93, %dma_wait3A_94] : memref<10000x16xf32, #tpu.memory_space<vmem_shared>> -> memref<10000x16xf32, #tpu.memory_space<vmem_shared>>
    tpu.wait_indirect_dma semaphore(%arg18 : memref<!tpu.dma_semaphore, #tpu.memory_space<semaphore_mem>>) src(%dma_wait3A_89 : memref<125x16xf32, #tpu.memory_space<vmem>>) dst(%dma_wait3A_95 : memref<10000x16xf32, #tpu.memory_space<vmem_shared>>)
    %rem3A_96 = arith.constant 79 : i32
    %rem3A_97 = arith.constant 3 : i32
    %rem3A_98 = arith.remsi %rem3A_96, %rem3A_97 : i32
    %rem3A_99 = arith.constant 79 : i32
    %rem3A_100 = arith.constant 2 : i32
    %rem3A_101 = arith.remsi %rem3A_99, %rem3A_100 : i32
    %dma_wait3A_102 = arith.constant 1 : i32
    %dma_wait3A_103 = arith.constant 0 : i32
    %dma_wait3A_104 = arith.constant 0 : i32
    %dma_wait3A_105 = tpu.memref_slice %arg11[%rem3A_101, %dma_wait3A_103, %dma_wait3A_104] : memref<2x125x128xf32, #tpu.memory_space<vmem>> -> memref<1x125x128xf32, #tpu.memory_space<vmem>>
    %dma_wait3A_106 = tpu.memref_squeeze %dma_wait3A_105 : memref<1x125x128xf32, #tpu.memory_space<vmem>> -> memref<125x128xf32, #tpu.memory_space<vmem>>
    %dma_wait3A_107 = arith.constant 0 : i32
    %dma_wait3A_108 = tpu.memref_slice %arg10[%rem3A_98, %dma_wait3A_102, %dma_wait3A_107] : memref<3x2x125xi32, #tpu.memory_space<vmem>> -> memref<1x1x125xi32, #tpu.memory_space<vmem>>
    %dma_wait3A_109 = tpu.memref_squeeze %dma_wait3A_108 : memref<1x1x125xi32, #tpu.memory_space<vmem>> -> memref<125xi32, #tpu.memory_space<vmem>>
    %dma_wait3A_110 = arith.constant 0 : i32
    %dma_wait3A_111 = arith.constant 0 : i32
    %dma_wait3A_112 = tpu.memref_slice %arg13[%dma_wait3A_110, %dma_wait3A_111] : memref<10000x128xf32, #tpu.memory_space<vmem_shared>> -> memref<10000x128xf32, #tpu.memory_space<vmem_shared>>
    tpu.wait_indirect_dma semaphore(%arg18 : memref<!tpu.dma_semaphore, #tpu.memory_space<semaphore_mem>>) src(%dma_wait3A_106 : memref<125x128xf32, #tpu.memory_space<vmem>>) dst(%dma_wait3A_112 : memref<10000x128xf32, #tpu.memory_space<vmem_shared>>)
    %dma_wait3A_113 = arith.constant 1 : i32
    %dma_wait3A_114 = arith.constant 0 : i32
    %dma_wait3A_115 = arith.constant 0 : i32
    %dma_wait3A_116 = tpu.memref_slice %arg12[%rem3A_101, %dma_wait3A_114, %dma_wait3A_115] : memref<2x125x16xf32, #tpu.memory_space<vmem>> -> memref<1x125x16xf32, #tpu.memory_space<vmem>>
    %dma_wait3A_117 = tpu.memref_squeeze %dma_wait3A_116 : memref<1x125x16xf32, #tpu.memory_space<vmem>> -> memref<125x16xf32, #tpu.memory_space<vmem>>
    %dma_wait3A_118 = arith.constant 0 : i32
    %dma_wait3A_119 = tpu.memref_slice %arg10[%rem3A_98, %dma_wait3A_113, %dma_wait3A_118] : memref<3x2x125xi32, #tpu.memory_space<vmem>> -> memref<1x1x125xi32, #tpu.memory_space<vmem>>
    %dma_wait3A_120 = tpu.memref_squeeze %dma_wait3A_119 : memref<1x1x125xi32, #tpu.memory_space<vmem>> -> memref<125xi32, #tpu.memory_space<vmem>>
    %dma_wait3A_121 = arith.constant 0 : i32
    %dma_wait3A_122 = arith.constant 0 : i32
    %dma_wait3A_123 = tpu.memref_slice %arg14[%dma_wait3A_121, %dma_wait3A_122] : memref<10000x16xf32, #tpu.memory_space<vmem_shared>> -> memref<10000x16xf32, #tpu.memory_space<vmem_shared>>
    tpu.wait_indirect_dma semaphore(%arg18 : memref<!tpu.dma_semaphore, #tpu.memory_space<semaphore_mem>>) src(%dma_wait3A_117 : memref<125x16xf32, #tpu.memory_space<vmem>>) dst(%dma_wait3A_123 : memref<10000x16xf32, #tpu.memory_space<vmem_shared>>)
    %barrier3A_124 = arith.constant 0 : index
    tpu.barrier barrier_id(%barrier3A_124)
    %mul3A_125 = arith.constant 625 : i32
    %mul3A_126 = arith.muli %arg1, %mul3A_125 : i32
    %mul3A_127 = arith.constant 10000 : i32
    %mul3A_128 = arith.muli %arg0, %mul3A_127 : i32
    %mul3A_129 = arith.constant 625 : i32
    %mul3A_130 = arith.muli %arg1, %mul3A_129 : i32
    %add3A_131 = arith.addi %mul3A_128, %mul3A_130 : i32
    "tpu.region"() ({
      %run_scoped3A_139 = tpu.sem_alloc : memref<!tpu.dma_semaphore, #tpu.memory_space<semaphore_mem>>
      %dma_start3A_140 = arith.constant 0 : i32
      %dma_start3A_141 = tpu.memref_slice %arg8[%add3A_131, %dma_start3A_140] : memref<20000x128xf32, #tpu.memory_space<hbm>> -> memref<625x128xf32, #tpu.memory_space<hbm>>
      %dma_start3A_142 = arith.constant 0 : i32
      %dma_start3A_143 = tpu.memref_slice %arg13[%mul3A_126, %dma_start3A_142] : memref<10000x128xf32, #tpu.memory_space<vmem_shared>> -> memref<625x128xf32, #tpu.memory_space<vmem_shared>>
      tpu.enqueue_dma source(%dma_start3A_143 : memref<625x128xf32, #tpu.memory_space<vmem_shared>>) target(%dma_start3A_141 : memref<625x128xf32, #tpu.memory_space<hbm>>) target_semaphore(%run_scoped3A_139 : memref<!tpu.dma_semaphore, #tpu.memory_space<semaphore_mem>>)
      %dma_wait3A_144 = arith.constant 0 : i32
      %dma_wait3A_145 = tpu.memref_slice %arg8[%add3A_131, %dma_wait3A_144] : memref<20000x128xf32, #tpu.memory_space<hbm>> -> memref<625x128xf32, #tpu.memory_space<hbm>>
      %dma_wait3A_146 = arith.constant 0 : i32
      %dma_wait3A_147 = tpu.memref_slice %arg13[%mul3A_126, %dma_wait3A_146] : memref<10000x128xf32, #tpu.memory_space<vmem_shared>> -> memref<625x128xf32, #tpu.memory_space<vmem_shared>>
      tpu.wait_dma2 semaphore(%run_scoped3A_139 : memref<!tpu.dma_semaphore, #tpu.memory_space<semaphore_mem>>) src(%dma_wait3A_147 : memref<625x128xf32, #tpu.memory_space<vmem_shared>>) dst(%dma_wait3A_145 : memref<625x128xf32, #tpu.memory_space<hbm>>)
      tpu.yield
    }) : () -> ()
    %mul3A_132 = arith.constant 625 : i32
    %mul3A_133 = arith.muli %arg1, %mul3A_132 : i32
    %mul3A_134 = arith.constant 10000 : i32
    %mul3A_135 = arith.muli %arg0, %mul3A_134 : i32
    %mul3A_136 = arith.constant 625 : i32
    %mul3A_137 = arith.muli %arg1, %mul3A_136 : i32
    %add3A_138 = arith.addi %mul3A_135, %mul3A_137 : i32
    "tpu.region"() ({
      %run_scoped3A_139 = tpu.sem_alloc : memref<!tpu.dma_semaphore, #tpu.memory_space<semaphore_mem>>
      %dma_start3A_140 = arith.constant 0 : i32
      %dma_start3A_141 = tpu.memref_slice %arg9[%add3A_138, %dma_start3A_140] : memref<20000x16xf32, #tpu.memory_space<hbm>> -> memref<625x16xf32, #tpu.memory_space<hbm>>
      %dma_start3A_142 = arith.constant 0 : i32
      %dma_start3A_143 = tpu.memref_slice %arg14[%mul3A_133, %dma_start3A_142] : memref<10000x16xf32, #tpu.memory_space<vmem_shared>> -> memref<625x16xf32, #tpu.memory_space<vmem_shared>>
      tpu.enqueue_dma source(%dma_start3A_143 : memref<625x16xf32, #tpu.memory_space<vmem_shared>>) target(%dma_start3A_141 : memref<625x16xf32, #tpu.memory_space<hbm>>) target_semaphore(%run_scoped3A_139 : memref<!tpu.dma_semaphore, #tpu.memory_space<semaphore_mem>>)
      %dma_wait3A_144 = arith.constant 0 : i32
      %dma_wait3A_145 = tpu.memref_slice %arg9[%add3A_138, %dma_wait3A_144] : memref<20000x16xf32, #tpu.memory_space<hbm>> -> memref<625x16xf32, #tpu.memory_space<hbm>>
      %dma_wait3A_146 = arith.constant 0 : i32
      %dma_wait3A_147 = tpu.memref_slice %arg14[%mul3A_133, %dma_wait3A_146] : memref<10000x16xf32, #tpu.memory_space<vmem_shared>> -> memref<625x16xf32, #tpu.memory_space<vmem_shared>>
      tpu.wait_dma2 semaphore(%run_scoped3A_139 : memref<!tpu.dma_semaphore, #tpu.memory_space<semaphore_mem>>) src(%dma_wait3A_147 : memref<625x16xf32, #tpu.memory_space<vmem_shared>>) dst(%dma_wait3A_145 : memref<625x16xf32, #tpu.memory_space<hbm>>)
      tpu.yield
    }) : () -> ()
    return
  }
}

module attributes {stable_mosaic.version = 14 : i64} {
  func.func @_dense_body(%arg0: memref<20000x128xf32, #tpu.memory_space<vmem>>, %arg1: memref<20000x16xf32, #tpu.memory_space<vmem>>, %arg2: memref<10000x4xf32, #tpu.memory_space<vmem>>, %arg3: memref<128x128xf32, #tpu.memory_space<vmem>>, %arg4: memref<128x3xf32, #tpu.memory_space<vmem>>, %arg5: memref<128x1xf32, #tpu.memory_space<vmem>>, %arg6: memref<1x128xf32, #tpu.memory_space<vmem>>, %arg7: memref<1x128xf32, #tpu.memory_space<vmem>>, %arg8: memref<10000x128xf32, #tpu.memory_space<vmem>>) attributes {dimension_semantics = [], scalar_prefetch = 0 : i64, scratch_operands = 0 : i64, tpu.core_type = #tpu.core_type<tc>} {
    %get3A = arith.constant 0 : index
    %get3A_0 = arith.constant 0 : index
    %get3A_1 = vector.load %arg4[%get3A, %get3A_0] : memref<128x3xf32, #tpu.memory_space<vmem>>, vector<128x3xf32>
    %get3A_2 = arith.constant 0 : index
    %get3A_3 = arith.constant 0 : index
    %get3A_4 = vector.load %arg5[%get3A_2, %get3A_3] : memref<128x1xf32, #tpu.memory_space<vmem>>, vector<128x1xf32>
    %broadcast_in_dim3A = arith.constant 0.000000e+00 : f32
    %broadcast_in_dim3A_5 = vector.broadcast %broadcast_in_dim3A : f32 to vector<128x12xf32>
    %concatenate3A = tpu.concatenate %get3A_1, %get3A_4, %broadcast_in_dim3A_5 in 1 : vector<128x3xf32>, vector<128x1xf32>, vector<128x12xf32> -> vector<128x16xf32>
    %iota3A = tpu.iota {dimensions = array<i32: 1>} : vector<128x16xi32>
    %eq3A = arith.constant 3 : i32
    %eq3A_6 = vector.broadcast %eq3A : i32 to vector<128x16xi32>
    %eq3A_7 = arith.cmpi eq, %iota3A, %eq3A_6 : vector<128x16xi32>
    %jit3A = arith.constant 1.000000e+00 : f32
    %jit3A_8 = arith.constant 0.000000e+00 : f32
    %broadcast_in_dim3A_9 = vector.broadcast %jit3A : f32 to vector<128x16xf32>
    %broadcast_in_dim3A_10 = vector.broadcast %jit3A_8 : f32 to vector<128x16xf32>
    %select_n3A = arith.select %eq3A_7, %broadcast_in_dim3A_9, %broadcast_in_dim3A_10 : vector<128x16xi1>, vector<128x16xf32>
    %broadcast_in_dim3A_11 = arith.constant 0.000000e+00 : f32
    %broadcast_in_dim3A_12 = vector.broadcast %broadcast_in_dim3A_11 : f32 to vector<128x1xf32>
    %get3A_13 = arith.constant 0 : index
    %get3A_14 = arith.constant 0 : index
    %get3A_15 = vector.load %arg4[%get3A_13, %get3A_14] : memref<128x3xf32, #tpu.memory_space<vmem>>, vector<128x3xf32>
    %concatenate3A_16 = tpu.concatenate %broadcast_in_dim3A_12, %get3A_15 in 1 : vector<128x1xf32>, vector<128x3xf32> -> vector<128x4xf32>
    %get3A_17 = arith.constant 0 : index
    %get3A_18 = arith.constant 0 : index
    %get3A_19 = vector.load %arg0[%get3A_17, %get3A_18] : memref<20000x128xf32, #tpu.memory_space<vmem>>, vector<10000x128xf32>
    %get3A_20 = arith.constant 10000 : index
    %get3A_21 = arith.constant 0 : index
    %get3A_22 = vector.load %arg0[%get3A_20, %get3A_21] : memref<20000x128xf32, #tpu.memory_space<vmem>>, vector<10000x128xf32>
    %add3A = arith.addf %get3A_19, %get3A_22 : vector<10000x128xf32>
    %get3A_23 = arith.constant 0 : index
    %get3A_24 = arith.constant 0 : index
    %get3A_25 = vector.load %arg1[%get3A_23, %get3A_24] : memref<20000x16xf32, #tpu.memory_space<vmem>>, vector<10000x16xf32>
    %get3A_26 = arith.constant 10000 : index
    %get3A_27 = arith.constant 0 : index
    %get3A_28 = vector.load %arg1[%get3A_26, %get3A_27] : memref<20000x16xf32, #tpu.memory_space<vmem>>, vector<10000x16xf32>
    %add3A_29 = arith.addf %get3A_25, %get3A_28 : vector<10000x16xf32>
    %dot_general3A = arith.constant dense<0.000000e+00> : vector<10000x128xf32>
    %dot_general3A_30 = tpu.matmul %add3A_29, %select_n3A, %dot_general3A {dimension_numbers = #tpu.dot_dimension_numbers<[1], [1], [0], [0], [0, 0, 1, 0], [], []>, transpose_lhs_hint = false} : vector<10000x16xf32>, vector<128x16xf32>, vector<10000x128xf32> -> vector<10000x128xf32>
    %get3A_31 = arith.constant 0 : index
    %get3A_32 = arith.constant 0 : index
    %get3A_33 = vector.load %arg3[%get3A_31, %get3A_32] : memref<128x128xf32, #tpu.memory_space<vmem>>, vector<128x128xf32>
    %dot_general3A_34 = arith.constant dense<0.000000e+00> : vector<10000x128xf32>
    %dot_general3A_35 = tpu.matmul %add3A, %get3A_33, %dot_general3A_34 {dimension_numbers = #tpu.dot_dimension_numbers<[1], [1], [0], [0], [0, 0, 1, 0], [], []>, transpose_lhs_hint = false} : vector<10000x128xf32>, vector<128x128xf32>, vector<10000x128xf32> -> vector<10000x128xf32>
    %dot_general3A_36 = arith.constant dense<0.000000e+00> : vector<10000x128xf32>
    %dot_general3A_37 = tpu.matmul %add3A_29, %concatenate3A, %dot_general3A_36 {dimension_numbers = #tpu.dot_dimension_numbers<[1], [1], [0], [0], [0, 0, 1, 0], [], []>, transpose_lhs_hint = false} : vector<10000x16xf32>, vector<128x16xf32>, vector<10000x128xf32> -> vector<10000x128xf32>
    %add3A_38 = arith.addf %dot_general3A_35, %dot_general3A_37 : vector<10000x128xf32>
    %get3A_39 = arith.constant 0 : index
    %get3A_40 = arith.constant 0 : index
    %get3A_41 = vector.load %arg2[%get3A_39, %get3A_40] : memref<10000x4xf32, #tpu.memory_space<vmem>>, vector<10000x4xf32>
    %dot_general3A_42 = arith.constant dense<0.000000e+00> : vector<10000x128xf32>
    %dot_general3A_43 = tpu.matmul %get3A_41, %concatenate3A_16, %dot_general3A_42 {dimension_numbers = #tpu.dot_dimension_numbers<[1], [1], [0], [0], [0, 0, 1, 0], [], []>, transpose_lhs_hint = false} : vector<10000x4xf32>, vector<128x4xf32>, vector<10000x128xf32> -> vector<10000x128xf32>
    %mul3A = arith.mulf %dot_general3A_30, %dot_general3A_43 : vector<10000x128xf32>
    %sub3A = arith.subf %add3A_38, %mul3A : vector<10000x128xf32>
    %max3A = arith.constant 1.000000e+00 : f32
    %max3A_44 = vector.broadcast %max3A : f32 to vector<10000x128xf32>
    %max3A_45 = arith.maximumf %dot_general3A_30, %max3A_44 : vector<10000x128xf32>
    %div3A = arith.divf %sub3A, %max3A_45 : vector<10000x128xf32>
    %reduce_sum3A = arith.constant dense<0.000000e+00> : vector<128xf32>
    %reduce_sum3A_46 = vector.multi_reduction <add>, %div3A, %reduce_sum3A [0] : vector<10000x128xf32> to vector<128xf32>
    %broadcast_in_dim3A_47 = vector.shape_cast %reduce_sum3A_46 : vector<128xf32> to vector<1x128xf32>
    %div3A_48 = arith.constant 1.000000e+04 : f32
    %div3A_49 = vector.broadcast %div3A_48 : f32 to vector<1x128xf32>
    %div3A_50 = arith.divf %broadcast_in_dim3A_47, %div3A_49 : vector<1x128xf32>
    %sub3A_51 = vector.broadcast %div3A_50 : vector<1x128xf32> to vector<10000x128xf32>
    %sub3A_52 = arith.subf %div3A, %sub3A_51 : vector<10000x128xf32>
    %mul3A_53 = arith.mulf %sub3A_52, %sub3A_52 : vector<10000x128xf32>
    %reduce_sum3A_54 = arith.constant dense<0.000000e+00> : vector<128xf32>
    %reduce_sum3A_55 = vector.multi_reduction <add>, %mul3A_53, %reduce_sum3A_54 [0] : vector<10000x128xf32> to vector<128xf32>
    %broadcast_in_dim3A_56 = vector.shape_cast %reduce_sum3A_55 : vector<128xf32> to vector<1x128xf32>
    %div3A_57 = arith.constant 1.000000e+04 : f32
    %div3A_58 = vector.broadcast %div3A_57 : f32 to vector<1x128xf32>
    %div3A_59 = arith.divf %broadcast_in_dim3A_56, %div3A_58 : vector<1x128xf32>
    %add3A_60 = arith.constant 9.99999974E-6 : f32
    %add3A_61 = vector.broadcast %add3A_60 : f32 to vector<1x128xf32>
    %add3A_62 = arith.addf %div3A_59, %add3A_61 : vector<1x128xf32>
    %rsqrt3A = math.rsqrt %add3A_62 : vector<1x128xf32>
    %mul3A_63 = vector.broadcast %rsqrt3A : vector<1x128xf32> to vector<10000x128xf32>
    %mul3A_64 = arith.mulf %sub3A_52, %mul3A_63 : vector<10000x128xf32>
    %get3A_65 = arith.constant 0 : index
    %get3A_66 = arith.constant 0 : index
    %get3A_67 = vector.load %arg6[%get3A_65, %get3A_66] : memref<1x128xf32, #tpu.memory_space<vmem>>, vector<1x128xf32>
    %mul3A_68 = vector.broadcast %get3A_67 : vector<1x128xf32> to vector<10000x128xf32>
    %mul3A_69 = arith.mulf %mul3A_64, %mul3A_68 : vector<10000x128xf32>
    %get3A_70 = arith.constant 0 : index
    %get3A_71 = arith.constant 0 : index
    %get3A_72 = vector.load %arg7[%get3A_70, %get3A_71] : memref<1x128xf32, #tpu.memory_space<vmem>>, vector<1x128xf32>
    %add3A_73 = vector.broadcast %get3A_72 : vector<1x128xf32> to vector<10000x128xf32>
    %add3A_74 = arith.addf %mul3A_69, %add3A_73 : vector<10000x128xf32>
    %max3A_75 = arith.constant 0.000000e+00 : f32
    %max3A_76 = vector.broadcast %max3A_75 : f32 to vector<10000x128xf32>
    %max3A_77 = arith.maximumf %add3A_74, %max3A_76 : vector<10000x128xf32>
    %swap3A = arith.constant 0 : index
    %swap3A_78 = arith.constant 0 : index
    %swap3A_79 = vector.load %arg8[%swap3A, %swap3A_78] : memref<10000x128xf32, #tpu.memory_space<vmem>>, vector<10000x128xf32>
    tpu.vector_store %arg8[%swap3A, %swap3A_78], %max3A_77 {strides = array<i32>} : memref<10000x128xf32, #tpu.memory_space<vmem>>, vector<10000x128xf32>,
    return
  }
}

</mosaic_0001>

<sc_bundles>
// kernel: kernel.4.cloned.1.call-start
scs
__scs_entry_jumppad:
0x0: {  	(pc) =	sbr.rel $0x88, $3  }
0x1: {  	(tag) =	ssettag $0x0;
	lr =	simm.s32 $0x1  }
0x2: {  	[smem:$0x3F96] =	sst lr;
	_ =	strace $0xD0000000  }
0x3: {  	_ = 	snop  }
0x4: {  	_ = 	snop  }
0x5: {  	_ = 	snop  }
0x6: {  	_ = 	snop  }
0x7: {  	_ = 	snop  }
__scs_overlays_trampoline_lowered:
0x8: {  	[smem:$0x3FA5] =	sst s0  }
0x9: {  	[smem:$0x3FA6] =	sst s1  }
0xa: {  	[smem:$0x3FA7] =	sst s2  }
0xb: {  	[smem:$0x3FA8] =	sst s3  }
0xc: {  	[smem:$0x3FA9] =	sst s4  }
0xd: {  	[smem:$0x3FAA] =	sst s5  }
0xe: {  	[smem:$0x3FAB] =	sst s6  }
0xf: {  	[smem:$0x3FAC] =	sst s7  }
0x10: {  	[smem:$0x3FAD] =	sst s8  }
0x11: {  	[smem:$0x3FAE] =	sst s9;
	s0 =	simm.s32 @!p0 $0x0  }
0x12: {  	s1 =	sld [smem:$0x3F94];
	s0 =	simm.s32 @p0 $0x1  }
0x13: {  	[smem:$0x3FAF] =	sst s0;
	s0 =	simm.s32 @!p1 $0x0  }
0x14: {  	s2 =	sld [smem:$0x3F93];
	s0 =	simm.s32 @p1 $0x1  }
0x15: {  	[smem:$0x3FB0] =	sst s0;
	s0 =	simm.s32 @!p2 $0x0  }
0x16: {  	s3 =	sld [smem:$0x3FDB];
	s0 =	simm.s32 @p2 $0x1  }
0x17: {  	s4 =	simm.s32 $0x1BF5;
	[smem:$0x3FB2] =	sst s0  }
0x18: {  	s0 =	sld [smem:$0x3F95];
	_ =	swait.ge [sflag:s4], $0x0  }
0x19: {  	s7 =	sld [smem:$0x3F96]  }
0x1a: {  	s8 =	sadd.s32 $0xFFFFE003, lr  }
0x1b: {  	s9 =	sadd.s32 $0xFFFFFEF7, lr;
	s5 =	simm.s32 $0xFFFFFFFF;
	p2 =	slt.u32 s8, $0xFFFFF086  }
0x1c: {  	p1 =	slt.u32 s9, $0xF7A;
	s5 =	simm.s32 @!p2 $0x0  }
0x1d: {  	s5 =	simm.s32 @p1 $0x1;
	p0 =	seq.s32 s7, s2  }
0x1e: {  	s7 =	smul.u32 @!p0 $0xF7A, s2;
	p2 =	seq.s32 @!p0 s5, $0x0  }
0x1f: {  	s9 =	smul.u32 $0xF7A, s1;
	s8 =	simm.s32 @!p0 $0x1BF5;
	p2 =	por !p2, p0  }
0x20: {  	[sflag:s8] =	ssyncset.s32 @!p0 $0xFFFFF086;
	s6 =	sadd.s32 @!p0 s3, s7;
	s7 =	simm.s32 @!p0 $0x108  }
0x21: {  	s3 =	sadd.s32 s3, s9;
	s6 =	sadd.s32 @!p0 $0x88, s6;
	s7 =	simm.s32 @p2 $0x1082  }
0x22: {  	[simem:s7], [sflag:s8] =	dma.local @!p0 [hbm:s6], $0xF7A  }
0x23: {  	s9 =	sor.u32 $0xD0000000, s2;
	s6 =	simm.s32 $0x108;
	_ =	swait.ge @!p0 [sflag:s8], $0x0  }
0x24: {  	s3 =	sadd.s32 $0x88, s3;
	s6 =	simm.s32 @!p1 $0x1082;
	[sflag:s4] =	ssyncset.s32 $0xFFFFF086  }
0x25: {  	[simem:s6], [sflag:s4] =	dma.local [hbm:s3], $0xF7A  }
0x26: {  	[smem:$0x3F96] =	sst s1;
	(tag) =	ssettag s2;
	_ =	strace s9  }
0x27: {  	s1 =	sld [smem:$0x3FA6]  }
0x28: {  	s2 =	sld [smem:$0x3FA7]  }
0x29: {  	s4 =	sld [smem:$0x3FA9]  }
0x2a: {  	p0 =	seq.s32 s5, $0x0;
	s5 =	sld [smem:$0x3FAA]  }
0x2b: {  	s6 =	sld [smem:$0x3FAB]  }
0x2c: {  	s7 =	sld [smem:$0x3FAC]  }
0x2d: {  	s3 =	simm.s32 $0x108;
	s8 =	sld [smem:$0x3FAD]  }
0x2e: {  	s3 =	simm.s32 @!p0 $0x1082;
	s9 =	sld [smem:$0x3FAE]  }
0x2f: {  	lr =	sadd.s32 s0, s3;
	s0 =	sld [smem:$0x3FA5]  }
0x30: {  	s3 =	sld [smem:$0x3FA8]  }
0x31: {  	[smem:$0x3FB1] =	sst s10  }
0x32: {  	s10 =	sld [smem:$0x3FAF];
	_ =	sdelay $0x3  }
0x33: {  	p0 =	seq.s32 s10, $0x1;
	s10 =	sld [smem:$0x3FB1];
	_ =	sdelay $0x3  }
0x34: {  	[smem:$0x3FB1] =	sst s10  }
0x35: {  	s10 =	sld [smem:$0x3FB0];
	_ =	sdelay $0x3  }
0x36: {  	p1 =	seq.s32 s10, $0x1;
	s10 =	sld [smem:$0x3FB1];
	_ =	sdelay $0x3  }
0x37: {  	[smem:$0x3FB1] =	sst s10  }
0x38: {  	s10 =	sld [smem:$0x3FB2]  }
0x39: {  	_ = 	snop;
	(pc) =	sbr.ind lr, $3  }
0x3a: {  	_ = 	snop  }
0x3b: {  	_ = 	snop  }
0x3c: {  	p2 =	seq.s32 s10, $0x1;
	s10 =	sld [smem:$0x3FB1]  }
0x3d: {  	_ =	shalt  }
0x3e: {  	_ =	shalt  }
0x3f: {  	_ =	shalt  }
0x40: {  	_ =	shalt  }
0x41: {  	_ =	shalt  }
0x42: {  	_ =	shalt  }
0x43: {  	_ =	shalt  }
0x44: {  	_ =	shalt  }
0x45: {  	_ =	shalt  }
0x46: {  	_ =	shalt  }
0x47: {  	_ =	shalt  }
0x48: {  	_ =	shalt  }
0x49: {  	_ =	shalt  }
0x4a: {  	_ =	shalt  }
0x4b: {  	_ =	shalt  }
0x4c: {  	_ =	shalt  }
0x4d: {  	_ =	shalt  }
0x4e: {  	_ =	shalt  }
0x4f: {  	_ =	shalt  }
0x50: {  	_ =	shalt  }
0x51: {  	_ =	shalt  }
0x52: {  	_ =	shalt  }
0x53: {  	_ =	shalt  }
0x54: {  	_ =	shalt  }
0x55: {  	_ =	shalt  }
0x56: {  	_ =	shalt  }
0x57: {  	_ =	shalt  }
0x58: {  	_ =	shalt  }
0x59: {  	_ =	shalt  }
0x5a: {  	_ =	shalt  }
0x5b: {  	_ =	shalt  }
0x5c: {  	_ =	shalt  }
0x5d: {  	_ =	shalt  }
0x5e: {  	_ =	shalt  }
0x5f: {  	_ =	shalt  }
0x60: {  	_ =	shalt  }
0x61: {  	_ =	shalt  }
0x62: {  	_ =	shalt  }
0x63: {  	_ =	shalt  }
0x64: {  	_ =	shalt  }
0x65: {  	_ =	shalt  }
0x66: {  	_ =	shalt  }
0x67: {  	_ =	shalt  }
0x68: {  	_ =	shalt  }
0x69: {  	_ =	shalt  }
0x6a: {  	_ =	shalt  }
0x6b: {  	_ =	shalt  }
0x6c: {  	_ =	shalt  }
0x6d: {  	_ =	shalt  }
0x6e: {  	_ =	shalt  }
0x6f: {  	_ =	shalt  }
0x70: {  	_ =	shalt  }
0x71: {  	_ =	shalt  }
0x72: {  	_ =	shalt  }
0x73: {  	_ =	shalt  }
0x74: {  	_ =	shalt  }
0x75: {  	_ =	shalt  }
0x76: {  	_ =	shalt  }
0x77: {  	_ =	shalt  }
0x78: {  	_ =	shalt  }
0x79: {  	_ =	shalt  }
0x7a: {  	_ =	shalt  }
0x7b: {  	_ =	shalt  }
0x7c: {  	_ =	shalt  }
0x7d: {  	_ =	shalt  }
0x7e: {  	_ =	shalt  }
0x7f: {  	_ =	shalt  }
0x80: {  	_ =	shalt  }
0x81: {  	_ =	shalt  }
0x82: {  	_ =	shalt  }
0x83: {  	_ =	shalt  }
0x84: {  	_ =	shalt  }
0x85: {  	_ =	shalt  }
0x86: {  	_ =	shalt  }
0x87: {  	_ =	shalt  }
.Lfunc_end0:
.L_simem_size_0:
called_computation_lowered:
.L_overlay_start_0:
0x88: {  	s2 =	sld [smem:$0x3FD9]  }
0x89: {  	s3 =	sld [smem:$0x3FFE];
	_ =	sdelay $0x1  }
0x8a: {  	s1 =	srdreg.scid  }
0x8b: {  	s0 =	sand.u32 $0x1, s1  }
0x8c: {  	s17 =	sshll.u32 s0, $0xA;
	s2 =	sadd.s32 s3, s2  }
0x8d: {  	s2 =	sadd.s32 s2, s17  }
0x8e: {  	[smem:$0x3FBD] =	sst s2  }
0x8f: {  	_ = 	snop  }
0x90: {  	s2 =	sld [smem:$0x3FC8]  }
0x91: {  	s18 =	sld [smem:$0x3FD0];
	(tm) =	ssettm $0x1  }
0x92: {  	s4 =	sld [smem:$0x3FFB];
	_ =	sdelay $0x3  }
0x93: {  	_ =	strace s4  }
0x94: {  	s4 =	sld [smem:$0x3FFC];
	_ =	sdelay $0x3  }
0x95: {  	_ =	strace s4  }
0x96: {  	s4 =	sld [smem:$0x3FFD];
	_ =	sdelay $0x3  }
0x97: {  	_ =	strace s4  }
0x98: {  	_ =	strace $0x8FFFFFFF  }
0x99: {  	s19 =	sld [smem:$0x3FDB];
	_ =	sdelay $0x1  }
0x9a: {  	s5 =	simm.s32 $_scs_section_size  }
0x9b: {  	s6 =	simm.s32 $_size__tile_overlayer_lowered;
	s7 =	simm.s32 $_tile_overlayer_lowered  }
0x9c: {  	s22 =	simm.s32 $0x1BFF;
	s21 =	sshll.u32 s7, $0x1;
	s4 =	sadd.s32 s5, s19  }
0x9d: {  	s8 =	simm.s32 $0x0;
	s20 =	sshll.u32 s6, $0x1;
	s6 =	sadd.s32 s21, s4  }
0x9e: {  	[timem:s8], [sflag:s22] =	dma.local [hbm:s6], s20  }
0x9f: {  	_ =	swait.ge [sflag:s22], s20  }
0xa0: {  	s5 =	ssub.s32 $0x0, s20;
	[sflag:s22] =	ssyncset.done $0x0  }
0xa1: {  	[sflag:s22] =	ssyncadd.s32 s5;
	_ =	sdelay $0x1  }
0xa2: {  	s23 =	simm.s32 $0x1B8B  }
0xa3: {  	_ =	swait.ge [sflag:s23], $0x1  }
0xa4: {  	[sflag:s23] =	ssyncset.done $0x0  }
0xa5: {  	s25 =	simm.s32 $0x1B8E;
	s24 =	sld [smem:$0x3FFE];
	[sflag:s23] =	ssyncadd.s32 $0xFFFFFFFF  }
0xa6: {  	s26 =	simm.s32 $execute0_lowered;
	[smem:$0x3FD2] =	sst s25  }
0xa7: {  	s6 =	sshll.u32 s26, $0x1;
	_ =	strace $0x80000046;
	[dreg:$0x1] =	wrdreg $0xFFFFFFFF  }
0xa8: {  	s28 =	simm.s32 $_size_execute0_lowered;
	s4 =	sadd.s32 s4, s6;
	[dreg:$0x0] =	wrdreg $0x0  }
0xa9: {  	s6 =	sshll.u32 s28, $0x1;
	[dreg:$0x2] =	wrdreg s4  }
0xaa: {  	[dreg:$0x3] =	wrdreg s6  }
0xab: {  	[dreg:$0x4] =	wrdreg $0xC0  }
0xac: {  	_ =	task [dreg:s8], $0x5FFFF  }
0xad: {  	[dreg:$0x1] =	wrdreg $0xFFFFFFFF  }
0xae: {  	[dreg:$0x0] =	wrdreg $0x60  }
0xaf: {  	[dreg:$0x2] =	wrdreg s2  }
0xb0: {  	[dreg:$0x3] =	wrdreg s24  }
0xb1: {  	[dreg:$0x4] =	wrdreg s18  }
0xb2: {  	[dreg:$0x5] =	wrdreg $0x8FA00  }
0xb3: {  	[dreg:$0x6] =	wrdreg $0x1C8200  }
0xb4: {  	[dreg:$0x7] =	wrdreg $0x9  }
0xb5: {  	_ =	task.clear_ibuf [dreg:s8], $0x8FFFF;
	_ =	strace $0x90000046  }
0xb6: {  	s29 =	simm.s32 $0x9;
	_ =	strace $0x80000048  }
0xb7: {  	_ =	swait.ge [sflag:s29], $0x1  }
0xb8: {  	[sflag:s29] =	ssyncadd.s32 $0xFFFFFFFF  }
0xb9: {  	_ =	strace $0x90000048  }
0xba: {  	_ =	sfence  }
0xbb: {  	s30 =	sld [smem:$0x0];
	_ =	sdelay $0x2  }
0xbc: {  	s31 =	sshll.u32 s1, $0xD;
	s1 =	sshrl.u32 s1, $0x2  }
0xbd: {  	s3 =	sand.u32 $0x4000, s31;
	s1 =	sadd.s32 s1, s30  }
0xbe: {  	s0 =	sor.u32 s3, s0;
	s1 =	sshll.u32 s1, $0x11  }
0xbf: {  	s0 =	sor.u32 s1, s0  }
0xc0: {  	s0 =	sadd.s32 $0x8F2B, s0  }
0xc1: {  	[sflag:s0] =	ssyncadd.remote.s32 $0x1  }
0xc2: {  	_ =	sfence.sel $0xFFFF  }
0xc3: {  	[dreg:$0x0] =	wrdreg $0xFFFFFFFF;
	(pc) =	sbr.abs _section_cstart, $3  }
0xc4: {  	[dreg:$0x1] =	wrdreg $0xFFFFFFFF  }
0xc5: {  	_ =	task.clear_ibuf [dreg:s8], $0x2FFFF;
	_ =	strace $0x9FFFFFFF  }
0xc6: {  	(tm) =	ssettm $0x7FFFFFFF  }
0xc7: {  	_ =	shalt  }
tec
execute0_lowered:
.L_overlay_start_1:
0x0: {  	(tag) =	ssettag $0x1  }
0x1: {  	s1 =	rddreg [dreg:$0x0]  }
0x2: {  	s0 =	rddreg [dreg:$0x1]  }
0x3: {  	s2 =	rddreg [dreg:$0x2]  }
0x4: {  	s3 =	rddreg [dreg:$0x3]  }
0x5: {  	s4 =	rddreg [dreg:$0x4];
	s6 =	srdreg.scid  }
0x6: {  	s14 =	stileid.u32;
	s5 =	simm.s32 $0x0;
	s29 =	simm.s32 $0x1  }
0x7: {  	s30 =	simm.s32 $0x2;
	s31 =	simm.s32 $0x4;
	s8 =	smul.u32 $0x271, s14  }
0x8: {  	s7 =	sand.u32 $0x1, s6;
	[smem:$0x7FF] =	sst s5;
	s11 =	smul.u32 $0x4E200, s14  }
0x9: {  	s6 =	sadd.s32 $0xBA00, s0;
	s18 =	sadd.s32 $0x1A00, s0;
	s13 =	smul.u32 $0x9C40, s14  }
0xa: {  	s24 =	sadd.s32 $0x11000, s0;
	s26 =	sadd.s32 $0x10A00, s0;
	s9 =	smul.u32 $0x2710, s7  }
0xb: {  	_ =	strace $0x80000047;
	[dreg:$0x6] =	wrdreg s24;
	s28 =	ssub.s32 $0x2, s7  }
0xc: {  	s16 =	sshll.u32 s14, $0x6;
	[dreg:$0x7] =	wrdreg s26;
	s12 =	sshrl.u32 s28, $0x1  }
0xd: {  	s20 =	sshrl.u32 s13, $0x2;
	s8 =	sadd.s32 s8, s9;
	s17 =	ssub.s32 s28, s12  }
0xe: {  	s12 =	sshrl.u32 s11, $0x2;
	s25 =	sshll.u32 s8, $0x4;
	s10 =	sshll.u32 s8, $0x1  }
0xf: {  	s8 =	sshll.u32 s7, $0x4;
	s7 =	smul.u32 $0x28000, s7;
	s15 =	sadd.s32 s25, s0  }
0x10: {  	s0 =	sadd.s32 s10, s0;
	s10 =	sor.u32 s14, s8;
	s14 =	smul.u32 $0x2800, s14  }
0x11: {  	s9 =	sor.u32 $0x1C05, s16;
	s22 =	sadd.s32 s20, s4;
	s10 =	smul.u32 $0x2800, s10  }
0x12: {  	s19 =	sadd.s32 s12, s3;
	[dreg:$0x8] =	wrdreg s22;
	s17 =	smax.u32 s17, $0x1  }
0x13: {  	s20 =	sshrl.u32 s19, $0x3;
	s7 =	sadd.s32 s14, s7;
	s21 =	sshrl.u32 s10, $0x3  }
0x14: {  	s15 =	sadd.s32 $0x1D600, s15;
	s7 =	sor.u32 $0x100, s7;
	s23 =	sadd.s32 s2, s21  }
0x15: {  	s24 =	sadd.s32 s18, s21;
	s16 =	sor.u32 $0x10, s21;
	[dreg:$0x9] =	wrdreg s23  }
0x16: {  	s28 =	sshrl.u32 s7, $0x3;
	s21 =	simm.s32 $0x5;
	[dreg:$0xa] =	wrdreg s24  }
0x17: {  	s25 =	sadd.s32 s2, s16;
	s26 =	sadd.s32 s18, s16;
	s16 =	sadd.s32 $0x13800, s0  }
0x18: {  	s23 =	sadd.s32 s28, s18;
	s24 =	sadd.s32 s28, s2;
	[dreg:$0xb] =	wrdreg s25  }
0x19: {  	s0 =	simm.s32 $0x0;
	[dreg:$0xc] =	wrdreg s26;
	s25 =	simm.s32 $0x7D  }
.LBB2_1:
0x1a: {  	s2 =	rddreg [dreg:$0x6]  }
0x1b: {  	[spmem:s20], [sflag:s9] =	dma.local [hbm:s2], $0x2710  }
0x1c: {  	_ =	swait.ge [sflag:s21], $0x2710  }
0x1d: {  	[sflag:s21] =	ssyncset.done $0x0;
	s12 =	rddreg [dreg:$0x8]  }
0x1e: {  	s7 =	rddreg [dreg:$0x7];
	[sflag:s21] =	ssyncadd.s32 $0xFFFFD8F0;
	s2 =	sshrl.u32 s12, $0x3  }
0x1f: {  	[spmem:s2], [sflag:s9] =	dma.local [hbm:s7], $0x4E2  }
0x20: {  	_ =	swait.ge [sflag:s21], $0x4E2  }
0x21: {  	[sflag:s21] =	ssyncset.done $0x0  }
0x22: {  	[sflag:s21] =	ssyncadd.s32 $0xFFFFFB1E  }
0x23: {  	[bflag:$0x0] =	sbarrier.arrive $0xFFFF  }
0x24: {  	s13 =	rddreg [dreg:$0x9]  }
0x25: {  	[tilespmem:s5], [sflag:$0x5] =	stream.linear.gather [hbm4b:s13+s5], $0x80, $0x38;
	[tilespmem:$0x1EF30] =	vst v63  }
0x26: {  	_ =	swait.ge [sflag:s21], $0x80  }
0x27: {  	[sflag:s21] =	ssyncset.done $0x0  }
0x28: {  	s8 =	simm.s32 $0x80;
	s14 =	rddreg [dreg:$0xa];
	[sflag:s21] =	ssyncadd.s32 $0xFFFFFF80  }
0x29: {  	[tilespmem:s8], [sflag:$0x5] =	stream.linear.gather [hbm4b:s14+s5], $0x80, $0x38;
	[tilespmem:$0x1EF30] =	vst v63  }
0x2a: {  	_ =	swait.ge [sflag:s21], $0x80  }
0x2b: {  	[sflag:s21] =	ssyncset.done $0x0  }
0x2c: {  	s19 =	simm.s32 $0x100;
	s18 =	rddreg [dreg:$0xb];
	[sflag:s21] =	ssyncadd.s32 $0xFFFFFF80  }
0x2d: {  	[tilespmem:s19], [sflag:$0x3] =	stream.linear.gather [hbm4b:s18+s5], $0x80, $0x38;
	[tilespmem:$0x1EF30] =	vst v63  }
0x2e: {  	s26 =	simm.s32 $0x180;
	s22 =	rddreg [dreg:$0xc]  }
0x2f: {  	[tilespmem:s26], [sflag:$0x3] =	stream.linear.gather [hbm4b:s22+s5], $0x80, $0x38;
	[tilespmem:$0x1EF30] =	vst v63  }
0x30: {  	s10 =	simm.s32 $0x300;
	p0 =	por $0x0, $0x0  }
0x31: {  	[tilespmem:s10], [sflag:$0x1] =	stream.indirect.gather [hbm4b:s1+s25], $0x80, s5, s25, $0xb8;
	[tilespmem:$0x1EF30] =	vst v63  }
0x32: {  	s11 =	simm.s32 $0x8000;
	s7 =	simm.s32 @!p0 $0x3  }
0x33: {  	[tilespmem:s11], [sflag:$0x2] =	stream.indirect.gather [hbm4b:s6+s25], $0x10, s5, s25, $0xb8;
	[tilespmem:$0x1EF30] =	vst v63  }
0x34: {  	_ =	swait.ge @!p0 [sflag:s7], $0x80  }
0x35: {  	s18 =	simm.s32 $0x1;
	[sflag:s7] =	ssyncset.done @!p0 $0x0  }
0x36: {  	p1 =	por @!p0 $0x1, $0x1;
	s18 =	smul.u32 @!p0 $0xAB, s18;
	[sflag:s7] =	ssyncadd.s32 @!p0 $0xFFFFFF80  }
0x37: {  	p2 =	por p1, p0;
	s19 =	simm.s32 $0x0;
	_ =	swait.ge @!p0 [sflag:s7], $0x80  }
0x38: {  	s22 =	sand.u32 $0x1, s19;
	s18 =	sshrl.u32 @!p0 s18, $0x9;
	[sflag:s7] =	ssyncset.done @!p0 $0x0  }
0x39: {  	s26 =	sxor.u32 @!p0 $0x1, s22;
	[sflag:s7] =	ssyncadd.s32 @!p0 $0xFFFFFF80;
	s7 =	simm.s32 @!p2 $0x4  }
0x3a: {  	s18 =	sand.u32 @!p0 $0x7F, s18;
	s28 =	smul.u32 @!p0 $0xFA00, s26;
	_ =	swait.ge @!p2 [sflag:s7], $0x3E80  }
0x3b: {  	p1 =	por @!p0 $0x0, $0x0;
	s18 =	smul.u32 @!p0 $0x3, s18;
	[sflag:s7] =	ssyncset.done @!p2 $0x0  }
0x3c: {  	p1 =	por p1, p0;
	[sflag:s7] =	ssyncadd.s32 @!p2 $0xFFFFC180  }
0x3d: {  	s28 =	sshrl.u32 @!p0 s28, $0x2;
	s18 =	ssub.s32 @!p0 $0x1, s18;
	_ =	swait.ge @!p2 [sflag:s7], $0x7D0  }
0x3e: {  	s28 =	sadd.s32 @!p0 $0x300, s28;
	s18 =	sand.u32 @!p0 $0xFF, s18;
	[sflag:s7] =	ssyncset.done @!p2 $0x0  }
0x3f: {  	s18 =	sshll.u32 @!p0 s18, $0x8;
	[sflag:s7] =	ssyncadd.s32 @!p2 $0xFFFFF830;
	s7 =	simm.s32 @!p0 $0x7D  }
0x40: {  	[tilespmem:s28], [sflag:$0x1] =	stream.indirect.gather @!p0 [hbm4b:s1+s7], $0x80, s18, s7, $0xb8;
	[tilespmem:$0x1EF30] =	vst v63  }
0x41: {  	s28 =	smul.u32 @!p1 $0xAB, s30  }
0x42: {  	s26 =	smul.u32 @!p0 $0x1F40, s26  }
0x43: {  	s28 =	sshrl.u32 @!p1 s28, $0x9  }
0x44: {  	s12 =	smul.u32 $0xAB, s19;
	s26 =	sshrl.u32 @!p0 s26, $0x2;
	s28 =	sand.u32 @!p1 $0x7F, s28  }
0x45: {  	s26 =	sor.u32 @!p0 $0x8000, s26;
	s28 =	smul.u32 @!p1 $0x3, s28  }
0x46: {  	[tilespmem:s26], [sflag:$0x2] =	stream.indirect.gather @!p0 [hbm4b:s6+s7], $0x10, s18, s7, $0xb8;
	[tilespmem:$0x1EF30] =	vst v63  }
0x47: {  	s18 =	ssub.s32 @!p1 $0x2, s28  }
0x48: {  	s7 =	sshrl.u32 s12, $0x9;
	s18 =	sand.u32 @!p1 $0xFF, s18  }
0x49: {  	s19 =	simm.s32 @!p1 $0x0;
	s7 =	sand.u32 $0x7F, s7;
	s18 =	sshll.u32 @!p1 s18, $0x8  }
0x4a: {  	[tilespmem:s18], [sflag:$0x3] =	stream.linear.gather @!p1 [hbm4b:s24+s19], $0x80, $0x38;
	[tilespmem:$0x1EF30] =	vst v63  }
0x4b: {  	s7 =	smul.u32 $0x3, s7;
	s18 =	sor.u32 @!p1 $0x80, s18  }
0x4c: {  	[tilespmem:s18], [sflag:$0x3] =	stream.linear.gather @!p1 [hbm4b:s23+s19], $0x80, $0x38;
	[tilespmem:$0x1EF30] =	vst v63  }
0x4d: {  	_ =	swait.ge [sflag:s29], $0x3E80  }
0x4e: {  	s13 =	smul.u32 $0xFA00, s22;
	s7 =	ssub.s32 $0x0, s7;
	[sflag:s29] =	ssyncset.done $0x0  }
0x4f: {  	s14 =	smul.u32 $0x1F40, s22;
	s7 =	sand.u32 $0xFF, s7;
	[sflag:s29] =	ssyncadd.s32 $0xFFFFC180  }
0x50: {  	s22 =	simm.s32 $0x3;
	s7 =	sshll.u32 s7, $0x8;
	_ =	swait.ge [sflag:s30], $0x7D0  }
0x51: {  	s26 =	sor.u32 $0x80, s7;
	s18 =	sshrl.u32 s13, $0x2;
	[sflag:s30] =	ssyncset.done $0x0  }
0x52: {  	s19 =	sshrl.u32 s14, $0x2;
	s18 =	sadd.s32 $0x300, s18;
	[sflag:s30] =	ssyncadd.s32 $0xFFFFF830  }
0x53: {  	[spmem:s3] =	stream.indirect.scatter.add.f32 [tilespmem:s18], [sflag:$0x4], $0x80, s26, s25, $0xb8;
	[tilespmem:$0x1EF30] =	vst v63  }
0x54: {  	s28 =	sor.u32 $0x8000, s19;
	s19 =	smov.u32 s24;
	s18 =	smov.u32 s23  }
.LBB2_2:
0x55: {  	s18 =	sadd.s32 $0x10, s18  }
0x56: {  	s19 =	sadd.s32 $0x10, s19;
	s7 =	smov.u32 s22;
	s22 =	sadd.s32 $0x1, s22  }
0x57: {  	[spmem:s4] =	stream.indirect.scatter.add.f32 [tilespmem:s28], [sflag:$0x4], $0x10, s26, s25, $0xb8;
	[tilespmem:$0x1EF30] =	vst v63  }
0x58: {  	s26 =	sadd.s32 $0xFFFFFFFE, s7;
	s8 =	sadd.s32 $0xFFFFFFFF, s7;
	p1 =	seq.s32 s7, $0x51  }
0x59: {  	s10 =	smul.u32 @!p1 $0xAB, s8;
	s11 =	simm.s32 @!p1 $0x3;
	p3 =	seq.s32 @!p1 s7, $0x2  }
0x5a: {  	s28 =	sand.u32 $0x1, s26;
	p2 =	sgt.u32 @!p1 s26, $0x4D;
	_ =	swait.ge @!p1 [sflag:s11], $0x80  }
0x5b: {  	s12 =	sxor.u32 @!p1 $0x1, s28;
	s10 =	sshrl.u32 @!p1 s10, $0x9;
	[sflag:s11] =	ssyncset.done @!p1 $0x0  }
0x5c: {  	s13 =	smul.u32 @!p1 $0xFA00, s12;
	s10 =	sand.u32 @!p1 $0x7F, s10;
	[sflag:s11] =	ssyncadd.s32 @!p1 $0xFFFFFF80  }
0x5d: {  	p0 =	sne.s32 s22, $0x52;
	s10 =	smul.u32 @!p1 $0x3, s10;
	_ =	swait.ge @!p1 [sflag:s11], $0x80  }
0x5e: {  	p3 =	por p3, p1;
	s13 =	sshrl.u32 @!p1 s13, $0x2;
	[sflag:s11] =	ssyncset.done @!p1 $0x0  }
0x5f: {  	s8 =	ssub.s32 @!p1 s8, s10;
	s10 =	simm.s32 @!p3 $0x4;
	[sflag:s11] =	ssyncadd.s32 @!p1 $0xFFFFFF80  }
0x60: {  	p2 =	por p2, p1;
	s8 =	sand.u32 @!p1 $0xFF, s8;
	_ =	swait.ge @!p3 [sflag:s10], $0x3E80  }
0x61: {  	s11 =	sadd.s32 @!p1 $0x300, s13;
	s13 =	smul.u32 @!p2 $0xAB, s7;
	[sflag:s10] =	ssyncset.done @!p3 $0x0  }
0x62: {  	s12 =	smul.u32 @!p1 $0x1F40, s12;
	[sflag:s10] =	ssyncadd.s32 @!p3 $0xFFFFC180  }
0x63: {  	s14 =	simm.s32 @!p1 $0x7D;
	s13 =	sshrl.u32 @!p2 s13, $0x9;
	_ =	swait.ge @!p3 [sflag:s10], $0x7D0  }
0x64: {  	s12 =	sshrl.u32 @!p1 s12, $0x2;
	s13 =	sand.u32 @!p2 $0x7F, s13;
	[sflag:s10] =	ssyncset.done @!p3 $0x0  }
0x65: {  	s8 =	sshll.u32 @!p1 s8, $0x8;
	[sflag:s10] =	ssyncadd.s32 @!p3 $0xFFFFF830;
	s10 =	smul.u32 @!p2 $0x3, s13  }
0x66: {  	[tilespmem:s11], [sflag:$0x1] =	stream.indirect.gather @!p1 [hbm4b:s1+s14], $0x80, s8, s14, $0xb8;
	[tilespmem:$0x1EF30] =	vst v63  }
0x67: {  	s12 =	sor.u32 @!p1 $0x8000, s12;
	s11 =	smul.u32 $0xAB, s26;
	s7 =	ssub.s32 @!p2 s7, s10  }
0x68: {  	[tilespmem:s12], [sflag:$0x2] =	stream.indirect.gather @!p1 [hbm4b:s6+s14], $0x10, s8, s14, $0xb8;
	[tilespmem:$0x1EF30] =	vst v63  }
0x69: {  	s10 =	smul.u32 $0xFA00, s28;
	s8 =	sshrl.u32 s11, $0x9;
	s7 =	sand.u32 @!p2 $0xFF, s7  }
0x6a: {  	s11 =	simm.s32 @!p2 $0x0;
	s8 =	sand.u32 $0x7F, s8;
	s7 =	sshll.u32 @!p2 s7, $0x8  }
0x6b: {  	[tilespmem:s7], [sflag:$0x3] =	stream.linear.gather @!p2 [hbm4b:s19+s11], $0x80, $0x38;
	[tilespmem:$0x1EF30] =	vst v63  }
0x6c: {  	s10 =	sshrl.u32 s10, $0x2;
	s8 =	smul.u32 $0x3, s8;
	s7 =	sor.u32 @!p2 $0x80, s7  }
0x6d: {  	[tilespmem:s7], [sflag:$0x3] =	stream.linear.gather @!p2 [hbm4b:s18+s11], $0x80, $0x38;
	[tilespmem:$0x1EF30] =	vst v63  }
0x6e: {  	s7 =	ssub.s32 s26, s8;
	s8 =	smul.u32 $0x1F40, s28  }
0x6f: {  	_ =	swait.ge [sflag:s29], $0x3E80  }
0x70: {  	s7 =	sand.u32 $0xFF, s7;
	[sflag:s29] =	ssyncset.done $0x0;
	s8 =	sshrl.u32 s8, $0x2  }
.Ltmp0:
0x71: {  	s7 =	sshll.u32 s7, $0x8;
	[sflag:s29] =	ssyncadd.s32 $0xFFFFC180;
	(pc) =	sbr.rel @p0 .LBB2_2-.Ltmp0, $4  }
0x72: {  	_ =	swait.ge [sflag:s30], $0x7D0  }
0x73: {  	s10 =	sadd.s32 $0x300, s10;
	s26 =	sor.u32 $0x80, s7;
	[sflag:s30] =	ssyncset.done $0x0  }
0x74: {  	s28 =	sor.u32 $0x8000, s8;
	[sflag:s30] =	ssyncadd.s32 $0xFFFFF830  }
0x75: {  	[spmem:s3] =	stream.indirect.scatter.add.f32 [tilespmem:s10], [sflag:$0x4], $0x80, s26, s25, $0xb8;
	[tilespmem:$0x1EF30] =	vst v63  }
0x76: {  	[spmem:s4] =	stream.indirect.scatter.add.f32 [tilespmem:s28], [sflag:$0x4], $0x10, s26, s25, $0xb8;
	[tilespmem:$0x1EF30] =	vst v63  }
0x77: {  	_ =	swait.ge [sflag:s31], $0x3E80  }
0x78: {  	[sflag:s31] =	ssyncset.done $0x0  }
0x79: {  	[sflag:s31] =	ssyncadd.s32 $0xFFFFC180  }
0x7a: {  	_ =	swait.ge [sflag:s31], $0x7D0  }
0x7b: {  	[sflag:s31] =	ssyncset.done $0x0  }
0x7c: {  	[sflag:s31] =	ssyncadd.s32 $0xFFFFF830  }
0x7d: {  	_ =	swait.ge [sflag:s31], $0x3E80  }
0x7e: {  	[sflag:s31] =	ssyncset.done $0x0  }
0x7f: {  	[sflag:s31] =	ssyncadd.s32 $0xFFFFC180  }
0x80: {  	_ =	swait.ge [sflag:s31], $0x7D0  }
0x81: {  	[sflag:s31] =	ssyncset.done $0x0  }
0x82: {  	[sflag:s31] =	ssyncadd.s32 $0xFFFFF830  }
0x83: {  	[bflag:$0x0] =	sbarrier.arrive $0xFFFF  }
0x84: {  	[hbm:s15], [sflag:s9] =	dma.local [spmem:s20], $0x2710  }
0x85: {  	s0 =	sadd.s32 $0x1, s0;
	_ =	swait.ge [sflag:s21], $0x2710  }
0x86: {  	p0 =	sne.s32 s0, s17;
	[sflag:s21] =	ssyncset.done $0x0  }
.Ltmp1:
0x87: {  	[sflag:s21] =	ssyncadd.s32 $0xFFFFD8F0;
	(pc) =	sbr.rel @p0 .LBB2_1-.Ltmp1, $4  }
0x88: {  	[hbm:s16], [sflag:s9] =	dma.local [spmem:s2], $0x4E2  }
0x89: {  	_ =	swait.ge [sflag:s21], $0x4E2  }
0x8a: {  	[sflag:s21] =	ssyncset.done $0x0  }
0x8b: {  	[sflag:s21] =	ssyncadd.s32 $0xFFFFFB1E  }
0x8c: {  	_ =	sfence.sel $0x180000  }
0x8d: {  	[bflag:$0x0] =	sbarrier.arrive $0xFFFF  }
0x8e: {  	_ =	strace $0x90000047  }
0x8f: {  	s0 =	stileid.u32;
	[bflag:$0x2] =	sbarrier.arrive $0xFFFF  }
0x90: {  	p0 =	sne.s32 s0, $0x0;
	s0 =	rddreg [dreg:$0x5]  }
0x91: {  	s0 =	sadd.s32 @!p0 $0x100000, s0  }
0x92: {  	[sflag:s0] =	ssyncadd.tile.s32 @!p0 $0x1;
	_ =	shalt  }
.Lfunc_end2:
_tile_overlayer_lowered:
.L_overlay_start_2:
0x93: {  	(tag) =	ssettag $0x2  }
0x94: {  	s0 =	rddreg [dreg:$0x0];
	s2 =	stileid.u32  }
0x95: {  	s1 =	rddreg [dreg:$0x1];
	p0 =	sne.s32 s2, $0x0  }
0x96: {  	s3 =	rddreg [dreg:$0x2];
	[bflag:$0x3] =	sbarrier.arrive $0xFFFF;
	s2 =	simm.s32 @!p0 $0x1C05  }
0x97: {  	[timem:s3], [sflag:s2] =	dma.local @!p0 [hbm:s0], s1  }
0x98: {  	s0 =	simm.s32 @!p0 $0x5  }
0x99: {  	_ =	swait.ge @!p0 [sflag:s0], s1  }
0x9a: {  	s1 =	ssub.s32 @!p0 $0x0, s1;
	[sflag:s0] =	ssyncset.done @!p0 $0x0  }
0x9b: {  	[sflag:s0] =	ssyncadd.s32 @!p0 s1  }
0x9c: {  	[bflag:$0x3] =	sbarrier.arrive $0xFFFF  }
0x9d: {  	_ =	shalt  }

</sc_bundles>
